<compile_context>
chip_gen: v7x
topology: tpu7x:2x2x1
jax: 0.10.2.dev20260603
libtpu: 0.0.44.dev20260713+nightly
codegen_flags: <defaults>
</compile_context>

<pallas_src>
import functools

import numpy as np
import jax
import jax.numpy as jnp
from jax import lax
from jax.experimental import pallas as pl
from jax.experimental.pallas import tpu as pltpu
from jax.experimental.pallas import tpu_sc as plsc

_B, _F = 16384, 100
_N = _B * _F
_PROB = 0.15
_NC, _NS, _L = 2, 16, 16
_H = _B // 2
_F0 = [0, 8, 16, 24, 32, 40, 48, 56, 64, 72, 80, 88, 96]
_NBLK = len(_F0)
_BW = [8] * 12 + [4]


def _threefry2x32(k1, k2, x0, x1):
    rot = [[13, 15, 26, 6], [17, 29, 16, 24]]
    u = np.uint32
    ks = [u(k1), u(k2), u(u(k1) ^ u(k2) ^ u(0x1BD11BDA))]
    x0 = x0.astype(np.uint32) + ks[0]
    x1 = x1.astype(np.uint32) + ks[1]

    def rnd(x0, x1, r):
        x0 = x0 + x1
        x1 = (x1 << u(r)) | (x1 >> u(32 - r))
        return x0, x1 ^ x0

    for r in rot[0]:
        x0, x1 = rnd(x0, x1, r)
    x0 = x0 + ks[1]; x1 = x1 + ks[2] + u(1)
    for r in rot[1]:
        x0, x1 = rnd(x0, x1, r)
    x0 = x0 + ks[2]; x1 = x1 + ks[0] + u(2)
    for r in rot[0]:
        x0, x1 = rnd(x0, x1, r)
    x0 = x0 + ks[0]; x1 = x1 + ks[1] + u(3)
    for r in rot[1]:
        x0, x1 = rnd(x0, x1, r)
    x0 = x0 + ks[1]; x1 = x1 + ks[2] + u(4)
    for r in rot[0]:
        x0, x1 = rnd(x0, x1, r)
    x0 = x0 + ks[2]; x1 = x1 + ks[0] + u(5)
    return x0, x1


def _uniform01(key, n):
    i = np.arange(n, dtype=np.uint64)
    c1 = (i >> np.uint64(32)).astype(np.uint32)
    c2 = (i & np.uint64(0xFFFFFFFF)).astype(np.uint32)
    b1, b2 = _threefry2x32(key[0], key[1], c1, c2)
    bits = b1 ^ b2
    f = (((bits >> np.uint32(9)) | np.uint32(0x3F800000)).view(np.float32)
         - np.float32(1.0))
    return np.maximum(np.float32(0.0), f)


def _pad128(n):
    return max(128, -(-n // 128) * 128)


@functools.cache
def _swap_tables():
    b1, b2 = _threefry2x32(np.uint32(0), np.uint32(42),
                           np.zeros(2, np.uint32),
                           np.arange(2, dtype=np.uint32))
    k_mask, k_shift = (b1[0], b2[0]), (b1[1], b2[1])
    mask = _uniform01(k_mask, _N) < np.float32(_PROB)
    row_shift = np.floor(
        _uniform01(k_shift, _N) * np.float32(_B)).astype(np.int32)
    shift = row_shift * (mask.astype(np.int32) * _F)
    idx = np.arange(_N, dtype=np.int32) + shift
    idx = np.where(idx >= _N, idx - _N, idx)

    moved = np.nonzero(idx != np.arange(_N, dtype=np.int32))[0]
    dst_row, dst_col = moved // _F, moved % _F
    src_row = idx[moved] // _F

    def unit_wid(blk, half):
        c = 0 if blk < 7 else 1
        s = (blk - 7 * c) * 2 + half
        return c * 16 + s

    loc_src = [[] for _ in range(32)]
    loc_dst = [[] for _ in range(32)]
    snd_src = [[] for _ in range(32)]
    rcv_dst = [[] for _ in range(32)]
    for b in range(_NBLK):
        f0 = _F0[b]
        sel = (dst_col >= f0) & (dst_col < f0 + _BW[b])
        fi = dst_col[sel] - f0
        dr, sr = dst_row[sel], src_row[sel]
        hd, hs = dr // _H, sr // _H
        psrc = fi * _H + (sr % _H)
        pdst = fi * _H + (dr % _H)
        same = hd == hs
        for half in (0, 1):
            w = unit_wid(b, half)
            m = same & (hd == half)
            loc_src[w] = psrc[m]
            loc_dst[w] = pdst[m]
            ms = (~same) & (hs == half)
            snd_src[w] = psrc[ms]
            rcv_dst[unit_wid(b, 1 - half)] = pdst[ms]

    locpad = _pad128(max(len(a) for a in loc_src))
    sndpad = _pad128(max(max(len(a) for a in snd_src),
                         max(len(a) for a in rcv_dst)))
    loc = np.zeros((32, locpad), np.int64)
    xch = np.zeros((32, sndpad), np.int64)
    meta = np.zeros((32, 128), np.int32)
    for w in range(32):
        ls = np.asarray(loc_src[w], np.int64)
        ld = np.asarray(loc_dst[w], np.int64)
        ss = np.asarray(snd_src[w], np.int64)
        rd = np.asarray(rcv_dst[w], np.int64)
        n = len(ls)
        loc[w, :n] = ((ls >> 13) << 26) | ((ls & (_H - 1)) << 13) | \
            (ld & (_H - 1))
        xch[w, :len(ss)] |= ss
        xch[w, :len(rd)] |= rd << 16
        meta[w, 0:16] = n
        meta[w, 16:32] = len(snd_src[w])
        meta[w, 32:48] = len(rcv_dst[w])
    tbl = np.concatenate([
        loc.astype(np.uint32).view(np.int32).reshape(-1),
        xch.astype(np.uint32).view(np.int32).reshape(-1),
        meta.reshape(-1),
    ])
    return {"tbl": tbl, "locpad": locpad, "sndpad": sndpad}


@functools.cache
def _build_sc_call(locpad, sndpad):
    mesh = plsc.VectorSubcoreMesh(core_axis_name="c", subcore_axis_name="s")

    @functools.partial(
        pl.kernel,
        out_type=jax.ShapeDtypeStruct((104, _B), jnp.float32),
        mesh=mesh,
        compiler_params=pltpu.CompilerParams(
            needs_layout_passes=False, use_tc_tiling_on_sc=True),
        scratch_types=[
            pltpu.VMEM((8, _H), jnp.float32),
            pltpu.VMEM((locpad,), jnp.int32),
            pltpu.VMEM((sndpad,), jnp.int32),
            pltpu.VMEM((locpad,), jnp.float32),
            pltpu.VMEM((sndpad,), jnp.float32),
            pltpu.VMEM((128,), jnp.int32),
            pltpu.VMEM_SHARED((16, sndpad), jnp.float32),
            pltpu.SemaphoreType.DMA,
        ],
    )
    def sc_kernel(xt_hbm, tbl_hbm, outt_hbm,
                  slab_v, idxa_v, idxb_v, vala_v, valb_v, meta_v, xchg_sh,
                  sem_a):
        c = lax.axis_index("c")
        s = lax.axis_index("s")
        wid = c * 16 + s
        active = s < 14 - 2 * c
        blk = c * 7 + lax.div(s, 2)
        r0 = pl.multiple_of(lax.rem(s, 2) * _H, 128)
        lanes = lax.iota(jnp.int32, 16)

        def unpack_gather16(shift, idx_v, val_v, i, _):
            p = lax.shift_right_logical(idx_v[pl.ds(i * 16, 16)], shift)
            fi = lax.bitwise_and(lax.shift_right_logical(p, 13), 7)
            ri = lax.bitwise_and(p, _H - 1)
            val_v[pl.ds(i * 16, 16)] = plsc.load_gather(slab_v, [fi, ri])
            return _

        def loc_scatter16(nvec, i, _):
            p = idxa_v[pl.ds(i * 16, 16)]
            fi = lax.shift_right_logical(p, 26)
            ri = lax.bitwise_and(p, _H - 1)
            m = (lanes + i * 16) < nvec
            plsc.store_scatter(slab_v, [fi, ri], vala_v[pl.ds(i * 16, 16)],
                               mask=m)
            return _

        def rcv_scatter16(nvec, i, _):
            q = lax.shift_right_logical(idxb_v[pl.ds(i * 16, 16)], 16)
            fi = lax.shift_right_logical(q, 13)
            ri = lax.bitwise_and(q, _H - 1)
            m = (lanes + i * 16) < nvec
            plsc.store_scatter(slab_v, [fi, ri], valb_v[pl.ds(i * 16, 16)],
                               mask=m)
            return _

        @pl.when(active & (blk < 12))
        def _():
            f0 = pl.multiple_of(blk * 8, 8)
            pltpu.make_async_copy(xt_hbm.at[pl.ds(f0, 8), pl.ds(r0, _H)],
                                  slab_v, sem_a).start()

        @pl.when(active & (blk == 12))
        def _():
            pltpu.make_async_copy(xt_hbm.at[pl.ds(96, 4), pl.ds(r0, _H)],
                                  slab_v.at[pl.ds(0, 4), :], sem_a).start()

        @pl.when(active)
        def _():
            xchg_base = 32 * locpad
            meta_base = 32 * (locpad + sndpad)
            pltpu.sync_copy(tbl_hbm.at[pl.ds(meta_base + wid * 128, 128)],
                            meta_v)
            pltpu.sync_copy(tbl_hbm.at[pl.ds(wid * locpad, locpad)], idxa_v)
            pltpu.sync_copy(tbl_hbm.at[pl.ds(xchg_base + wid * sndpad, sndpad)],
                            idxb_v)

        @pl.when(active & (blk < 12))
        def _():
            f0 = pl.multiple_of(blk * 8, 8)
            pltpu.make_async_copy(xt_hbm.at[pl.ds(f0, 8), pl.ds(r0, _H)],
                                  slab_v, sem_a).wait()

        @pl.when(active & (blk == 12))
        def _():
            pltpu.make_async_copy(xt_hbm.at[pl.ds(96, 4), pl.ds(r0, _H)],
                                  slab_v.at[pl.ds(0, 4), :], sem_a).wait()

        @pl.when(active)
        def _():
            n_loc = meta_v[pl.ds(0, 16)]

            @plsc.parallel_loop(0, locpad // 16, unroll=8)
            def _(i):
                unpack_gather16(13, idxa_v, vala_v, i, 0)

            @plsc.parallel_loop(0, sndpad // 16, unroll=8)
            def _(i):
                unpack_gather16(0, idxb_v, valb_v, i, 0)

            pltpu.sync_copy(valb_v, xchg_sh.at[s])

            @plsc.parallel_loop(0, locpad // 16, unroll=8)
            def _(i):
                loc_scatter16(n_loc, i, 0)

        plsc.subcore_barrier()

        @pl.when(active)
        def _():
            n_rcv = meta_v[pl.ds(32, 16)]
            peer = lax.bitwise_xor(s, 1)
            pltpu.sync_copy(xchg_sh.at[peer], valb_v)

            @plsc.parallel_loop(0, sndpad // 16, unroll=8)
            def _(i):
                rcv_scatter16(n_rcv, i, 0)

            f0 = pl.multiple_of(jnp.where(blk == 12, 96, blk * 8), 8)
            pltpu.sync_copy(slab_v, outt_hbm.at[pl.ds(f0, 8), pl.ds(r0, _H)])

    return sc_kernel


_T = _swap_tables()


def kernel(x):
    xt = jnp.swapaxes(x, 0, 1)
    outt = _build_sc_call(_T["locpad"], _T["sndpad"])(xt, _T["tbl"])
    return jnp.swapaxes(outt, 0, 1)[:, :_F]

# --- scband reference (transcript-rebuilt; emitter-appended) ---
"""Pipeline reference for scband-batch-swap-noise-52467320487962 (READ-ONLY COPY).

The authoritative reference and input builder live on the scoring server;
editing this copy changes nothing except your own understanding.
"""

import jax, jax.numpy as jnp
import numpy as np

PROB = 0.15

def setup_inputs(seed: int = 0) -> dict:
    key = jax.random.key(seed)
    x = jax.random.normal(key, (16384, 100), dtype=jnp.float32)
    return {"x": x}

def reference(x):
    # BatchSwapNoise (training mode): with probability `prob`, swap each element
    # with the element in the same column of a uniformly-random other row.
    B, F = x.shape
    N = B * F
    key = jax.random.key(42)
    k_mask, k_shift = jax.random.split(key)
    mask = jax.random.uniform(k_mask, (B, F)) < PROB
    # shift = floor(rand * B) * (mask * F), flattened (row offset in flat index space)
    row_shift = jnp.floor(jax.random.uniform(k_shift, (B, F)) * B).astype(jnp.int32)
    shift = (row_shift * (mask.astype(jnp.int32) * F)).reshape(-1)
    idx = jnp.arange(N, dtype=jnp.int32) + shift
    idx = jnp.where(idx >= N, idx - N, idx)
    swapped = x.reshape(-1)[idx].reshape(B, F)
    return swapped

if __name__ == "__main__":
    import jax
    _d = setup_inputs()
    print(jax.jit(kernel)(*tuple(_d.values())))

</pallas_src>

<mosaic_0001>
#map = affine_map<(d0, d1) -> (0, 0)>
#map1 = affine_map<(d0, d1) -> (0)>
module attributes {stable_mosaic.version = 14 : i64} {
  func.func @sc_kernel(%arg0: i32, %arg1: i32, %arg2: memref<100x16384xf32, #tpu.memory_space<hbm>>, %arg3: memref<331776xi32, #tpu.memory_space<hbm>>, %arg4: memref<104x16384xf32, #tpu.memory_space<hbm>>, %arg5: memref<8x8192xf32, #tpu.memory_space<vmem>>, %arg6: memref<5120xi32, #tpu.memory_space<vmem>>, %arg7: memref<5120xi32, #tpu.memory_space<vmem>>, %arg8: memref<5120xf32, #tpu.memory_space<vmem>>, %arg9: memref<5120xf32, #tpu.memory_space<vmem>>, %arg10: memref<128xi32, #tpu.memory_space<vmem>>, %arg11: memref<16x5120xf32, #tpu.memory_space<vmem_shared>>, %arg12: memref<!tpu.dma_semaphore, #tpu.memory_space<semaphore_mem>>) attributes {dimension_semantics = [#tpu.dimension_semantics<core_parallel>, #tpu.dimension_semantics<subcore_parallel>], iteration_bounds = array<i64: 2, 16>, scalar_prefetch = 0 : i64, scratch_operands = 8 : i64, tpu.core_type = #tpu.core_type<sc_vector_subcore>, window_params = [{transform_indices = #map}, {transform_indices = #map1}, {transform_indices = #map}]} {
    %mul3A = arith.constant 16 : i32
    %mul3A_0 = arith.muli %arg0, %mul3A : i32
    %add3A = arith.addi %mul3A_0, %arg1 : i32
    %mul3A_1 = arith.constant 2 : i32
    %mul3A_2 = arith.muli %mul3A_1, %arg0 : i32
    %sub3A = arith.constant 14 : i32
    %sub3A_3 = arith.subi %sub3A, %mul3A_2 : i32
    %lt3A = arith.cmpi slt, %arg1, %sub3A_3 : i32
    %mul3A_4 = arith.constant 7 : i32
    %mul3A_5 = arith.muli %arg0, %mul3A_4 : i32
    %div3A = arith.constant 2 : i32
    %div3A_6 = arith.divsi %arg1, %div3A : i32
    %add3A_7 = arith.addi %mul3A_5, %div3A_6 : i32
    %rem3A = arith.constant 2 : i32
    %rem3A_8 = arith.remsi %arg1, %rem3A : i32
    %mul3A_9 = arith.constant 8192 : i32
    %mul3A_10 = arith.muli %rem3A_8, %mul3A_9 : i32
    %multiple_of3A = tpu.assume_multiple %mul3A_10, 128 : i32
    %iota3A = tpu.iota {dimensions = array<i32: 0>} : vector<16xi32>
    %lt3A_11 = arith.constant 12 : i32
    %lt3A_12 = arith.cmpi slt, %add3A_7, %lt3A_11 : i32
    %and3A = arith.andi %lt3A, %lt3A_12 : i1
    %convert_element_type3A = arith.extui %and3A : i1 to i32
    %cond3A = arith.constant 0 : i32
    %cond3A_13 = arith.cmpi ne, %convert_element_type3A, %cond3A : i32
    scf.if %cond3A_13 {
      %mul3A_40 = arith.constant 8 : i32
      %mul3A_41 = arith.muli %add3A_7, %mul3A_40 : i32
      %multiple_of3A_42 = tpu.assume_multiple %mul3A_41, 8 : i32
      %dma_start3A = tpu.memref_slice %arg2[%multiple_of3A_42, %multiple_of3A] : memref<100x16384xf32, #tpu.memory_space<hbm>> -> memref<8x8192xf32, #tpu.memory_space<hbm>>
      %dma_start3A_43 = tpu.memref_slice %arg2[%multiple_of3A_42, %multiple_of3A] : memref<100x16384xf32, #tpu.memory_space<hbm>> -> memref<8x8192xf32, #tpu.memory_space<hbm>>
      tpu.enqueue_dma source(%dma_start3A_43 : memref<8x8192xf32, #tpu.memory_space<hbm>>) target(%arg5 : memref<8x8192xf32, #tpu.memory_space<vmem>>) target_semaphore(%arg12 : memref<!tpu.dma_semaphore, #tpu.memory_space<semaphore_mem>>)
    } else {
    }
    %eq3A = arith.constant 12 : i32
    %eq3A_14 = arith.cmpi eq, %add3A_7, %eq3A : i32
    %and3A_15 = arith.andi %lt3A, %eq3A_14 : i1
    %convert_element_type3A_16 = arith.extui %and3A_15 : i1 to i32
    %cond3A_17 = arith.constant 0 : i32
    %cond3A_18 = arith.cmpi ne, %convert_element_type3A_16, %cond3A_17 : i32
    scf.if %cond3A_18 {
      %dma_start3A = arith.constant 0 : i32
      %dma_start3A_40 = arith.constant 0 : i32
      %dma_start3A_41 = tpu.memref_slice %arg5[%dma_start3A, %dma_start3A_40] : memref<8x8192xf32, #tpu.memory_space<vmem>> -> memref<4x8192xf32, #tpu.memory_space<vmem>>
      %dma_start3A_42 = arith.constant 96 : i32
      %dma_start3A_43 = tpu.memref_slice %arg2[%dma_start3A_42, %multiple_of3A] : memref<100x16384xf32, #tpu.memory_space<hbm>> -> memref<4x8192xf32, #tpu.memory_space<hbm>>
      %dma_start3A_44 = arith.constant 0 : i32
      %dma_start3A_45 = arith.constant 0 : i32
      %dma_start3A_46 = tpu.memref_slice %arg5[%dma_start3A_44, %dma_start3A_45] : memref<8x8192xf32, #tpu.memory_space<vmem>> -> memref<4x8192xf32, #tpu.memory_space<vmem>>
      %dma_start3A_47 = arith.constant 96 : i32
      %dma_start3A_48 = tpu.memref_slice %arg2[%dma_start3A_47, %multiple_of3A] : memref<100x16384xf32, #tpu.memory_space<hbm>> -> memref<4x8192xf32, #tpu.memory_space<hbm>>
      tpu.enqueue_dma source(%dma_start3A_48 : memref<4x8192xf32, #tpu.memory_space<hbm>>) target(%dma_start3A_46 : memref<4x8192xf32, #tpu.memory_space<vmem>>) target_semaphore(%arg12 : memref<!tpu.dma_semaphore, #tpu.memory_space<semaphore_mem>>)
    } else {
    }
    %convert_element_type3A_19 = arith.extui %lt3A : i1 to i32
    %cond3A_20 = arith.constant 0 : i32
    %cond3A_21 = arith.cmpi ne, %convert_element_type3A_19, %cond3A_20 : i32
    scf.if %cond3A_21 {
      %mul3A_40 = arith.constant 128 : i32
      %mul3A_41 = arith.muli %add3A, %mul3A_40 : i32
      %add3A_42 = arith.constant 327680 : i32
      %add3A_43 = arith.addi %add3A_42, %mul3A_41 : i32
      "tpu.region"() ({
        %run_scoped3A = tpu.sem_alloc : memref<!tpu.dma_semaphore, #tpu.memory_space<semaphore_mem>>
        %dma_start3A = tpu.memref_slice %arg3[%add3A_43] : memref<331776xi32, #tpu.memory_space<hbm>> -> memref<128xi32, #tpu.memory_space<hbm>>
        %dma_start3A_50 = tpu.memref_slice %arg3[%add3A_43] : memref<331776xi32, #tpu.memory_space<hbm>> -> memref<128xi32, #tpu.memory_space<hbm>>
        tpu.enqueue_dma source(%dma_start3A_50 : memref<128xi32, #tpu.memory_space<hbm>>) target(%arg10 : memref<128xi32, #tpu.memory_space<vmem>>) target_semaphore(%run_scoped3A : memref<!tpu.dma_semaphore, #tpu.memory_space<semaphore_mem>>)
        %dma_wait3A = tpu.memref_slice %arg3[%add3A_43] : memref<331776xi32, #tpu.memory_space<hbm>> -> memref<128xi32, #tpu.memory_space<hbm>>
        %dma_wait3A_51 = tpu.memref_slice %arg3[%add3A_43] : memref<331776xi32, #tpu.memory_space<hbm>> -> memref<128xi32, #tpu.memory_space<hbm>>
        tpu.wait_dma2 semaphore(%run_scoped3A : memref<!tpu.dma_semaphore, #tpu.memory_space<semaphore_mem>>) src(%dma_wait3A_51 : memref<128xi32, #tpu.memory_space<hbm>>) dst(%arg10 : memref<128xi32, #tpu.memory_space<vmem>>)
        tpu.yield
      }) : () -> ()
      %mul3A_44 = arith.constant 5120 : i32
      %mul3A_45 = arith.muli %add3A, %mul3A_44 : i32
      "tpu.region"() ({
        %run_scoped3A = tpu.sem_alloc : memref<!tpu.dma_semaphore, #tpu.memory_space<semaphore_mem>>
        %dma_start3A = tpu.memref_slice %arg3[%mul3A_45] : memref<331776xi32, #tpu.memory_space<hbm>> -> memref<5120xi32, #tpu.memory_space<hbm>>
        %dma_start3A_50 = tpu.memref_slice %arg3[%mul3A_45] : memref<331776xi32, #tpu.memory_space<hbm>> -> memref<5120xi32, #tpu.memory_space<hbm>>
        tpu.enqueue_dma source(%dma_start3A_50 : memref<5120xi32, #tpu.memory_space<hbm>>) target(%arg6 : memref<5120xi32, #tpu.memory_space<vmem>>) target_semaphore(%run_scoped3A : memref<!tpu.dma_semaphore, #tpu.memory_space<semaphore_mem>>)
        %dma_wait3A = tpu.memref_slice %arg3[%mul3A_45] : memref<331776xi32, #tpu.memory_space<hbm>> -> memref<5120xi32, #tpu.memory_space<hbm>>
        %dma_wait3A_51 = tpu.memref_slice %arg3[%mul3A_45] : memref<331776xi32, #tpu.memory_space<hbm>> -> memref<5120xi32, #tpu.memory_space<hbm>>
        tpu.wait_dma2 semaphore(%run_scoped3A : memref<!tpu.dma_semaphore, #tpu.memory_space<semaphore_mem>>) src(%dma_wait3A_51 : memref<5120xi32, #tpu.memory_space<hbm>>) dst(%arg6 : memref<5120xi32, #tpu.memory_space<vmem>>)
        tpu.yield
      }) : () -> ()
      %mul3A_46 = arith.constant 5120 : i32
      %mul3A_47 = arith.muli %add3A, %mul3A_46 : i32
      %add3A_48 = arith.constant 163840 : i32
      %add3A_49 = arith.addi %add3A_48, %mul3A_47 : i32
      "tpu.region"() ({
        %run_scoped3A = tpu.sem_alloc : memref<!tpu.dma_semaphore, #tpu.memory_space<semaphore_mem>>
        %dma_start3A = tpu.memref_slice %arg3[%add3A_49] : memref<331776xi32, #tpu.memory_space<hbm>> -> memref<5120xi32, #tpu.memory_space<hbm>>
        %dma_start3A_50 = tpu.memref_slice %arg3[%add3A_49] : memref<331776xi32, #tpu.memory_space<hbm>> -> memref<5120xi32, #tpu.memory_space<hbm>>
        tpu.enqueue_dma source(%dma_start3A_50 : memref<5120xi32, #tpu.memory_space<hbm>>) target(%arg7 : memref<5120xi32, #tpu.memory_space<vmem>>) target_semaphore(%run_scoped3A : memref<!tpu.dma_semaphore, #tpu.memory_space<semaphore_mem>>)
        %dma_wait3A = tpu.memref_slice %arg3[%add3A_49] : memref<331776xi32, #tpu.memory_space<hbm>> -> memref<5120xi32, #tpu.memory_space<hbm>>
        %dma_wait3A_51 = tpu.memref_slice %arg3[%add3A_49] : memref<331776xi32, #tpu.memory_space<hbm>> -> memref<5120xi32, #tpu.memory_space<hbm>>
        tpu.wait_dma2 semaphore(%run_scoped3A : memref<!tpu.dma_semaphore, #tpu.memory_space<semaphore_mem>>) src(%dma_wait3A_51 : memref<5120xi32, #tpu.memory_space<hbm>>) dst(%arg7 : memref<5120xi32, #tpu.memory_space<vmem>>)
        tpu.yield
      }) : () -> ()
    } else {
    }
    %lt3A_22 = arith.constant 12 : i32
    %lt3A_23 = arith.cmpi slt, %add3A_7, %lt3A_22 : i32
    %and3A_24 = arith.andi %lt3A, %lt3A_23 : i1
    %convert_element_type3A_25 = arith.extui %and3A_24 : i1 to i32
    %cond3A_26 = arith.constant 0 : i32
    %cond3A_27 = arith.cmpi ne, %convert_element_type3A_25, %cond3A_26 : i32
    scf.if %cond3A_27 {
      %mul3A_40 = arith.constant 8 : i32
      %mul3A_41 = arith.muli %add3A_7, %mul3A_40 : i32
      %multiple_of3A_42 = tpu.assume_multiple %mul3A_41, 8 : i32
      %dma_wait3A = tpu.memref_slice %arg2[%multiple_of3A_42, %multiple_of3A] : memref<100x16384xf32, #tpu.memory_space<hbm>> -> memref<8x8192xf32, #tpu.memory_space<hbm>>
      %dma_wait3A_43 = tpu.memref_slice %arg2[%multiple_of3A_42, %multiple_of3A] : memref<100x16384xf32, #tpu.memory_space<hbm>> -> memref<8x8192xf32, #tpu.memory_space<hbm>>
      tpu.wait_dma2 semaphore(%arg12 : memref<!tpu.dma_semaphore, #tpu.memory_space<semaphore_mem>>) src(%dma_wait3A_43 : memref<8x8192xf32, #tpu.memory_space<hbm>>) dst(%arg5 : memref<8x8192xf32, #tpu.memory_space<vmem>>)
    } else {
    }
    %eq3A_28 = arith.constant 12 : i32
    %eq3A_29 = arith.cmpi eq, %add3A_7, %eq3A_28 : i32
    %and3A_30 = arith.andi %lt3A, %eq3A_29 : i1
    %convert_element_type3A_31 = arith.extui %and3A_30 : i1 to i32
    %cond3A_32 = arith.constant 0 : i32
    %cond3A_33 = arith.cmpi ne, %convert_element_type3A_31, %cond3A_32 : i32
    scf.if %cond3A_33 {
      %dma_wait3A = arith.constant 0 : i32
      %dma_wait3A_40 = arith.constant 0 : i32
      %dma_wait3A_41 = tpu.memref_slice %arg5[%dma_wait3A, %dma_wait3A_40] : memref<8x8192xf32, #tpu.memory_space<vmem>> -> memref<4x8192xf32, #tpu.memory_space<vmem>>
      %dma_wait3A_42 = arith.constant 96 : i32
      %dma_wait3A_43 = tpu.memref_slice %arg2[%dma_wait3A_42, %multiple_of3A] : memref<100x16384xf32, #tpu.memory_space<hbm>> -> memref<4x8192xf32, #tpu.memory_space<hbm>>
      %dma_wait3A_44 = arith.constant 0 : i32
      %dma_wait3A_45 = arith.constant 0 : i32
      %dma_wait3A_46 = tpu.memref_slice %arg5[%dma_wait3A_44, %dma_wait3A_45] : memref<8x8192xf32, #tpu.memory_space<vmem>> -> memref<4x8192xf32, #tpu.memory_space<vmem>>
      %dma_wait3A_47 = arith.constant 96 : i32
      %dma_wait3A_48 = tpu.memref_slice %arg2[%dma_wait3A_47, %multiple_of3A] : memref<100x16384xf32, #tpu.memory_space<hbm>> -> memref<4x8192xf32, #tpu.memory_space<hbm>>
      tpu.wait_dma2 semaphore(%arg12 : memref<!tpu.dma_semaphore, #tpu.memory_space<semaphore_mem>>) src(%dma_wait3A_48 : memref<4x8192xf32, #tpu.memory_space<hbm>>) dst(%dma_wait3A_46 : memref<4x8192xf32, #tpu.memory_space<vmem>>)
    } else {
    }
    %convert_element_type3A_34 = arith.extui %lt3A : i1 to i32
    %cond3A_35 = arith.constant 0 : i32
    %cond3A_36 = arith.cmpi ne, %convert_element_type3A_34, %cond3A_35 : i32
    scf.if %cond3A_36 {
      %get3A = arith.constant 0 : index
      %get3A_40 = tpu.vector_load %arg10[%get3A] {strides = array<i32>} : memref<128xi32, #tpu.memory_space<vmem>>, vector<16xi32>,
      %parallel_loop3A = arith.constant 0 : i32
      %parallel_loop3A_41 = arith.constant 320 : i32
      %parallel_loop3A_42 = arith.constant 1 : i32
      scf.for %parallel_loop3A_49 = %parallel_loop3A to %parallel_loop3A_41 step %parallel_loop3A_42  : i32 {
        %parallel_loop3A_50 = arith.constant 16 : i32
        %parallel_loop3A_51 = arith.muli %parallel_loop3A_49, %parallel_loop3A_50 : i32
        %parallel_loop3A_52 = arith.index_cast %parallel_loop3A_51 : i32 to index
        %parallel_loop3A_53 = tpu.vector_load %arg6[%parallel_loop3A_52] {strides = array<i32>} : memref<5120xi32, #tpu.memory_space<vmem>>, vector<16xi32>,
        %parallel_loop3A_54 = arith.constant 13 : i32
        %parallel_loop3A_55 = vector.broadcast %parallel_loop3A_54 : i32 to vector<16xi32>
        %parallel_loop3A_56 = arith.shrui %parallel_loop3A_53, %parallel_loop3A_55 : vector<16xi32>
        %parallel_loop3A_57 = arith.constant 13 : i32
        %parallel_loop3A_58 = vector.broadcast %parallel_loop3A_57 : i32 to vector<16xi32>
        %parallel_loop3A_59 = arith.shrui %parallel_loop3A_56, %parallel_loop3A_58 : vector<16xi32>
        %parallel_loop3A_60 = arith.constant 7 : i32
        %parallel_loop3A_61 = vector.broadcast %parallel_loop3A_60 : i32 to vector<16xi32>
        %parallel_loop3A_62 = arith.andi %parallel_loop3A_59, %parallel_loop3A_61 : vector<16xi32>
        %parallel_loop3A_63 = arith.constant 8191 : i32
        %parallel_loop3A_64 = vector.broadcast %parallel_loop3A_63 : i32 to vector<16xi32>
        %parallel_loop3A_65 = arith.andi %parallel_loop3A_56, %parallel_loop3A_64 : vector<16xi32>
        %parallel_loop3A_66 = tpu.vector_load_idx %arg5[%parallel_loop3A_62, %parallel_loop3A_65] : memref<8x8192xf32, #tpu.memory_space<vmem>>[vector<16xi32>, vector<16xi32>], vector<16xf32>,
        %parallel_loop3A_67 = arith.constant 16 : i32
        %parallel_loop3A_68 = arith.muli %parallel_loop3A_49, %parallel_loop3A_67 : i32
        %parallel_loop3A_69 = arith.index_cast %parallel_loop3A_68 : i32 to index
        %parallel_loop3A_70 = tpu.vector_load %arg8[%parallel_loop3A_69] {strides = array<i32>} : memref<5120xf32, #tpu.memory_space<vmem>>, vector<16xf32>,
        tpu.vector_store %arg8[%parallel_loop3A_69], %parallel_loop3A_66 {strides = array<i32>} : memref<5120xf32, #tpu.memory_space<vmem>>, vector<16xf32>,
      } {sc.loop_unroll_factor = 8 : i64, sc.parallel_access}
      %parallel_loop3A_43 = arith.constant 0 : i32
      %parallel_loop3A_44 = arith.constant 320 : i32
      %parallel_loop3A_45 = arith.constant 1 : i32
      scf.for %parallel_loop3A_49 = %parallel_loop3A_43 to %parallel_loop3A_44 step %parallel_loop3A_45  : i32 {
        %parallel_loop3A_50 = arith.constant 16 : i32
        %parallel_loop3A_51 = arith.muli %parallel_loop3A_49, %parallel_loop3A_50 : i32
        %parallel_loop3A_52 = arith.index_cast %parallel_loop3A_51 : i32 to index
        %parallel_loop3A_53 = tpu.vector_load %arg7[%parallel_loop3A_52] {strides = array<i32>} : memref<5120xi32, #tpu.memory_space<vmem>>, vector<16xi32>,
        %parallel_loop3A_54 = arith.constant 0 : i32
        %parallel_loop3A_55 = vector.broadcast %parallel_loop3A_54 : i32 to vector<16xi32>
        %parallel_loop3A_56 = arith.shrui %parallel_loop3A_53, %parallel_loop3A_55 : vector<16xi32>
        %parallel_loop3A_57 = arith.constant 13 : i32
        %parallel_loop3A_58 = vector.broadcast %parallel_loop3A_57 : i32 to vector<16xi32>
        %parallel_loop3A_59 = arith.shrui %parallel_loop3A_56, %parallel_loop3A_58 : vector<16xi32>
        %parallel_loop3A_60 = arith.constant 7 : i32
        %parallel_loop3A_61 = vector.broadcast %parallel_loop3A_60 : i32 to vector<16xi32>
        %parallel_loop3A_62 = arith.andi %parallel_loop3A_59, %parallel_loop3A_61 : vector<16xi32>
        %parallel_loop3A_63 = arith.constant 8191 : i32
        %parallel_loop3A_64 = vector.broadcast %parallel_loop3A_63 : i32 to vector<16xi32>
        %parallel_loop3A_65 = arith.andi %parallel_loop3A_56, %parallel_loop3A_64 : vector<16xi32>
        %parallel_loop3A_66 = tpu.vector_load_idx %arg5[%parallel_loop3A_62, %parallel_loop3A_65] : memref<8x8192xf32, #tpu.memory_space<vmem>>[vector<16xi32>, vector<16xi32>], vector<16xf32>,
        %parallel_loop3A_67 = arith.constant 16 : i32
        %parallel_loop3A_68 = arith.muli %parallel_loop3A_49, %parallel_loop3A_67 : i32
        %parallel_loop3A_69 = arith.index_cast %parallel_loop3A_68 : i32 to index
        %parallel_loop3A_70 = tpu.vector_load %arg9[%parallel_loop3A_69] {strides = array<i32>} : memref<5120xf32, #tpu.memory_space<vmem>>, vector<16xf32>,
        tpu.vector_store %arg9[%parallel_loop3A_69], %parallel_loop3A_66 {strides = array<i32>} : memref<5120xf32, #tpu.memory_space<vmem>>, vector<16xf32>,
      } {sc.loop_unroll_factor = 8 : i64, sc.parallel_access}
      "tpu.region"() ({
        %run_scoped3A = tpu.sem_alloc : memref<!tpu.dma_semaphore, #tpu.memory_space<semaphore_mem>>
        %dma_start3A = arith.constant 0 : i32
        %dma_start3A_49 = tpu.memref_slice %arg11[%arg1, %dma_start3A] : memref<16x5120xf32, #tpu.memory_space<vmem_shared>> -> memref<1x5120xf32, #tpu.memory_space<vmem_shared>>
        %dma_start3A_50 = tpu.memref_squeeze %dma_start3A_49 : memref<1x5120xf32, #tpu.memory_space<vmem_shared>> -> memref<5120xf32, #tpu.memory_space<vmem_shared>>
        %dma_start3A_51 = arith.constant 0 : i32
        %dma_start3A_52 = tpu.memref_slice %arg11[%arg1, %dma_start3A_51] : memref<16x5120xf32, #tpu.memory_space<vmem_shared>> -> memref<1x5120xf32, #tpu.memory_space<vmem_shared>>
        %dma_start3A_53 = tpu.memref_squeeze %dma_start3A_52 : memref<1x5120xf32, #tpu.memory_space<vmem_shared>> -> memref<5120xf32, #tpu.memory_space<vmem_shared>>
        tpu.enqueue_dma source(%arg9 : memref<5120xf32, #tpu.memory_space<vmem>>) target(%dma_start3A_53 : memref<5120xf32, #tpu.memory_space<vmem_shared>>) target_semaphore(%run_scoped3A : memref<!tpu.dma_semaphore, #tpu.memory_space<semaphore_mem>>)
        %dma_wait3A = arith.constant 0 : i32
        %dma_wait3A_54 = tpu.memref_slice %arg11[%arg1, %dma_wait3A] : memref<16x5120xf32, #tpu.memory_space<vmem_shared>> -> memref<1x5120xf32, #tpu.memory_space<vmem_shared>>
        %dma_wait3A_55 = tpu.memref_squeeze %dma_wait3A_54 : memref<1x5120xf32, #tpu.memory_space<vmem_shared>> -> memref<5120xf32, #tpu.memory_space<vmem_shared>>
        %dma_wait3A_56 = arith.constant 0 : i32
        %dma_wait3A_57 = tpu.memref_slice %arg11[%arg1, %dma_wait3A_56] : memref<16x5120xf32, #tpu.memory_space<vmem_shared>> -> memref<1x5120xf32, #tpu.memory_space<vmem_shared>>
        %dma_wait3A_58 = tpu.memref_squeeze %dma_wait3A_57 : memref<1x5120xf32, #tpu.memory_space<vmem_shared>> -> memref<5120xf32, #tpu.memory_space<vmem_shared>>
        tpu.wait_dma2 semaphore(%run_scoped3A : memref<!tpu.dma_semaphore, #tpu.memory_space<semaphore_mem>>) src(%arg9 : memref<5120xf32, #tpu.memory_space<vmem>>) dst(%dma_wait3A_58 : memref<5120xf32, #tpu.memory_space<vmem_shared>>)
        tpu.yield
      }) : () -> ()
      %parallel_loop3A_46 = arith.constant 0 : i32
      %parallel_loop3A_47 = arith.constant 320 : i32
      %parallel_loop3A_48 = arith.constant 1 : i32
      scf.for %parallel_loop3A_49 = %parallel_loop3A_46 to %parallel_loop3A_47 step %parallel_loop3A_48  : i32 {
        %parallel_loop3A_50 = arith.constant 16 : i32
        %parallel_loop3A_51 = arith.muli %parallel_loop3A_49, %parallel_loop3A_50 : i32
        %parallel_loop3A_52 = arith.index_cast %parallel_loop3A_51 : i32 to index
        %parallel_loop3A_53 = tpu.vector_load %arg6[%parallel_loop3A_52] {strides = array<i32>} : memref<5120xi32, #tpu.memory_space<vmem>>, vector<16xi32>,
        %parallel_loop3A_54 = arith.constant 26 : i32
        %parallel_loop3A_55 = vector.broadcast %parallel_loop3A_54 : i32 to vector<16xi32>
        %parallel_loop3A_56 = arith.shrui %parallel_loop3A_53, %parallel_loop3A_55 : vector<16xi32>
        %parallel_loop3A_57 = arith.constant 8191 : i32
        %parallel_loop3A_58 = vector.broadcast %parallel_loop3A_57 : i32 to vector<16xi32>
        %parallel_loop3A_59 = arith.andi %parallel_loop3A_53, %parallel_loop3A_58 : vector<16xi32>
        %parallel_loop3A_60 = arith.constant 16 : i32
        %parallel_loop3A_61 = arith.muli %parallel_loop3A_49, %parallel_loop3A_60 : i32
        %parallel_loop3A_62 = vector.broadcast %parallel_loop3A_61 : i32 to vector<16xi32>
        %parallel_loop3A_63 = arith.addi %iota3A, %parallel_loop3A_62 : vector<16xi32>
        %parallel_loop3A_64 = arith.cmpi slt, %parallel_loop3A_63, %get3A_40 : vector<16xi32>
        %parallel_loop3A_65 = arith.constant 16 : i32
        %parallel_loop3A_66 = arith.muli %parallel_loop3A_49, %parallel_loop3A_65 : i32
        %parallel_loop3A_67 = arith.index_cast %parallel_loop3A_66 : i32 to index
        %parallel_loop3A_68 = tpu.vector_load %arg8[%parallel_loop3A_67] {strides = array<i32>} : memref<5120xf32, #tpu.memory_space<vmem>>, vector<16xf32>,
        tpu.vector_store_idx %arg5[%parallel_loop3A_56, %parallel_loop3A_59], %parallel_loop3A_68 masked %parallel_loop3A_64 : memref<8x8192xf32, #tpu.memory_space<vmem>>[vector<16xi32>, vector<16xi32>], vector<16xf32>, vector<16xi1>
      } {sc.loop_unroll_factor = 8 : i64, sc.parallel_access}
    } else {
    }
    %barrier3A = arith.constant 0 : index
    tpu.barrier barrier_id(%barrier3A)
    %convert_element_type3A_37 = arith.extui %lt3A : i1 to i32
    %cond3A_38 = arith.constant 0 : i32
    %cond3A_39 = arith.cmpi ne, %convert_element_type3A_37, %cond3A_38 : i32
    scf.if %cond3A_39 {
      %get3A = arith.constant 32 : index
      %get3A_40 = tpu.vector_load %arg10[%get3A] {strides = array<i32>} : memref<128xi32, #tpu.memory_space<vmem>>, vector<16xi32>,
      %xor3A = arith.constant 1 : i32
      %xor3A_41 = arith.xori %arg1, %xor3A : i32
      "tpu.region"() ({
        %run_scoped3A = tpu.sem_alloc : memref<!tpu.dma_semaphore, #tpu.memory_space<semaphore_mem>>
        %dma_start3A = arith.constant 0 : i32
        %dma_start3A_49 = tpu.memref_slice %arg11[%xor3A_41, %dma_start3A] : memref<16x5120xf32, #tpu.memory_space<vmem_shared>> -> memref<1x5120xf32, #tpu.memory_space<vmem_shared>>
        %dma_start3A_50 = tpu.memref_squeeze %dma_start3A_49 : memref<1x5120xf32, #tpu.memory_space<vmem_shared>> -> memref<5120xf32, #tpu.memory_space<vmem_shared>>
        %dma_start3A_51 = arith.constant 0 : i32
        %dma_start3A_52 = tpu.memref_slice %arg11[%xor3A_41, %dma_start3A_51] : memref<16x5120xf32, #tpu.memory_space<vmem_shared>> -> memref<1x5120xf32, #tpu.memory_space<vmem_shared>>
        %dma_start3A_53 = tpu.memref_squeeze %dma_start3A_52 : memref<1x5120xf32, #tpu.memory_space<vmem_shared>> -> memref<5120xf32, #tpu.memory_space<vmem_shared>>
        tpu.enqueue_dma source(%dma_start3A_53 : memref<5120xf32, #tpu.memory_space<vmem_shared>>) target(%arg9 : memref<5120xf32, #tpu.memory_space<vmem>>) target_semaphore(%run_scoped3A : memref<!tpu.dma_semaphore, #tpu.memory_space<semaphore_mem>>)
        %dma_wait3A = arith.constant 0 : i32
        %dma_wait3A_54 = tpu.memref_slice %arg11[%xor3A_41, %dma_wait3A] : memref<16x5120xf32, #tpu.memory_space<vmem_shared>> -> memref<1x5120xf32, #tpu.memory_space<vmem_shared>>
        %dma_wait3A_55 = tpu.memref_squeeze %dma_wait3A_54 : memref<1x5120xf32, #tpu.memory_space<vmem_shared>> -> memref<5120xf32, #tpu.memory_space<vmem_shared>>
        %dma_wait3A_56 = arith.constant 0 : i32
        %dma_wait3A_57 = tpu.memref_slice %arg11[%xor3A_41, %dma_wait3A_56] : memref<16x5120xf32, #tpu.memory_space<vmem_shared>> -> memref<1x5120xf32, #tpu.memory_space<vmem_shared>>
        %dma_wait3A_58 = tpu.memref_squeeze %dma_wait3A_57 : memref<1x5120xf32, #tpu.memory_space<vmem_shared>> -> memref<5120xf32, #tpu.memory_space<vmem_shared>>
        tpu.wait_dma2 semaphore(%run_scoped3A : memref<!tpu.dma_semaphore, #tpu.memory_space<semaphore_mem>>) src(%dma_wait3A_58 : memref<5120xf32, #tpu.memory_space<vmem_shared>>) dst(%arg9 : memref<5120xf32, #tpu.memory_space<vmem>>)
        tpu.yield
      }) : () -> ()
      %parallel_loop3A = arith.constant 0 : i32
      %parallel_loop3A_42 = arith.constant 320 : i32
      %parallel_loop3A_43 = arith.constant 1 : i32
      scf.for %parallel_loop3A_49 = %parallel_loop3A to %parallel_loop3A_42 step %parallel_loop3A_43  : i32 {
        %parallel_loop3A_50 = arith.constant 16 : i32
        %parallel_loop3A_51 = arith.muli %parallel_loop3A_49, %parallel_loop3A_50 : i32
        %parallel_loop3A_52 = arith.index_cast %parallel_loop3A_51 : i32 to index
        %parallel_loop3A_53 = tpu.vector_load %arg7[%parallel_loop3A_52] {strides = array<i32>} : memref<5120xi32, #tpu.memory_space<vmem>>, vector<16xi32>,
        %parallel_loop3A_54 = arith.constant 16 : i32
        %parallel_loop3A_55 = vector.broadcast %parallel_loop3A_54 : i32 to vector<16xi32>
        %parallel_loop3A_56 = arith.shrui %parallel_loop3A_53, %parallel_loop3A_55 : vector<16xi32>
        %parallel_loop3A_57 = arith.constant 13 : i32
        %parallel_loop3A_58 = vector.broadcast %parallel_loop3A_57 : i32 to vector<16xi32>
        %parallel_loop3A_59 = arith.shrui %parallel_loop3A_56, %parallel_loop3A_58 : vector<16xi32>
        %parallel_loop3A_60 = arith.constant 8191 : i32
        %parallel_loop3A_61 = vector.broadcast %parallel_loop3A_60 : i32 to vector<16xi32>
        %parallel_loop3A_62 = arith.andi %parallel_loop3A_56, %parallel_loop3A_61 : vector<16xi32>
        %parallel_loop3A_63 = arith.constant 16 : i32
        %parallel_loop3A_64 = arith.muli %parallel_loop3A_49, %parallel_loop3A_63 : i32
        %parallel_loop3A_65 = vector.broadcast %parallel_loop3A_64 : i32 to vector<16xi32>
        %parallel_loop3A_66 = arith.addi %iota3A, %parallel_loop3A_65 : vector<16xi32>
        %parallel_loop3A_67 = arith.cmpi slt, %parallel_loop3A_66, %get3A_40 : vector<16xi32>
        %parallel_loop3A_68 = arith.constant 16 : i32
        %parallel_loop3A_69 = arith.muli %parallel_loop3A_49, %parallel_loop3A_68 : i32
        %parallel_loop3A_70 = arith.index_cast %parallel_loop3A_69 : i32 to index
        %parallel_loop3A_71 = tpu.vector_load %arg9[%parallel_loop3A_70] {strides = array<i32>} : memref<5120xf32, #tpu.memory_space<vmem>>, vector<16xf32>,
        tpu.vector_store_idx %arg5[%parallel_loop3A_59, %parallel_loop3A_62], %parallel_loop3A_71 masked %parallel_loop3A_67 : memref<8x8192xf32, #tpu.memory_space<vmem>>[vector<16xi32>, vector<16xi32>], vector<16xf32>, vector<16xi1>
      } {sc.loop_unroll_factor = 8 : i64, sc.parallel_access}
      %eq3A_44 = arith.constant 12 : i32
      %eq3A_45 = arith.cmpi eq, %add3A_7, %eq3A_44 : i32
      %mul3A_46 = arith.constant 8 : i32
      %mul3A_47 = arith.muli %add3A_7, %mul3A_46 : i32
      %jit3A = arith.constant 96 : i32
      %select_n3A = arith.select %eq3A_45, %jit3A, %mul3A_47 : i32
      %multiple_of3A_48 = tpu.assume_multiple %select_n3A, 8 : i32
      "tpu.region"() ({
        %run_scoped3A = tpu.sem_alloc : memref<!tpu.dma_semaphore, #tpu.memory_space<semaphore_mem>>
        %dma_start3A = tpu.memref_slice %arg4[%multiple_of3A_48, %multiple_of3A] : memref<104x16384xf32, #tpu.memory_space<hbm>> -> memref<8x8192xf32, #tpu.memory_space<hbm>>
        %dma_start3A_49 = tpu.memref_slice %arg4[%multiple_of3A_48, %multiple_of3A] : memref<104x16384xf32, #tpu.memory_space<hbm>> -> memref<8x8192xf32, #tpu.memory_space<hbm>>
        tpu.enqueue_dma source(%arg5 : memref<8x8192xf32, #tpu.memory_space<vmem>>) target(%dma_start3A_49 : memref<8x8192xf32, #tpu.memory_space<hbm>>) target_semaphore(%run_scoped3A : memref<!tpu.dma_semaphore, #tpu.memory_space<semaphore_mem>>)
        %dma_wait3A = tpu.memref_slice %arg4[%multiple_of3A_48, %multiple_of3A] : memref<104x16384xf32, #tpu.memory_space<hbm>> -> memref<8x8192xf32, #tpu.memory_space<hbm>>
        %dma_wait3A_50 = tpu.memref_slice %arg4[%multiple_of3A_48, %multiple_of3A] : memref<104x16384xf32, #tpu.memory_space<hbm>> -> memref<8x8192xf32, #tpu.memory_space<hbm>>
        tpu.wait_dma2 semaphore(%run_scoped3A : memref<!tpu.dma_semaphore, #tpu.memory_space<semaphore_mem>>) src(%arg5 : memref<8x8192xf32, #tpu.memory_space<vmem>>) dst(%dma_wait3A_50 : memref<8x8192xf32, #tpu.memory_space<hbm>>)
        tpu.yield
      }) : () -> ()
    } else {
    }
    return
  }
}

</mosaic_0001>

<sc_bundles>
// kernel: kernel.3.cloned.1.call-start
scs
__scs_entry_jumppad:
0x0: {  	(pc) =	sbr.rel $0x88, $3  }
0x1: {  	(tag) =	ssettag $0x0;
	lr =	simm.s32 $0x1  }
0x2: {  	[smem:$0x3FA0] =	sst lr;
	_ =	strace $0xD0000000  }
0x3: {  	_ = 	snop  }
0x4: {  	_ = 	snop  }
0x5: {  	_ = 	snop  }
0x6: {  	_ = 	snop  }
0x7: {  	_ = 	snop  }
__scs_overlays_trampoline_lowered:
0x8: {  	[smem:$0x3FAF] =	sst s0  }
0x9: {  	[smem:$0x3FB0] =	sst s1  }
0xa: {  	[smem:$0x3FB1] =	sst s2  }
0xb: {  	[smem:$0x3FB2] =	sst s3  }
0xc: {  	[smem:$0x3FB3] =	sst s4  }
0xd: {  	[smem:$0x3FB4] =	sst s5  }
0xe: {  	[smem:$0x3FB5] =	sst s6  }
0xf: {  	[smem:$0x3FB6] =	sst s7  }
0x10: {  	[smem:$0x3FB7] =	sst s8  }
0x11: {  	[smem:$0x3FB8] =	sst s9;
	s0 =	simm.s32 @!p0 $0x0  }
0x12: {  	s1 =	sld [smem:$0x3F9E];
	s0 =	simm.s32 @p0 $0x1  }
0x13: {  	[smem:$0x3FB9] =	sst s0;
	s0 =	simm.s32 @!p1 $0x0  }
0x14: {  	s2 =	sld [smem:$0x3F9D];
	s0 =	simm.s32 @p1 $0x1  }
0x15: {  	[smem:$0x3FBA] =	sst s0;
	s0 =	simm.s32 @!p2 $0x0  }
0x16: {  	s3 =	sld [smem:$0x3FDB];
	s0 =	simm.s32 @p2 $0x1  }
0x17: {  	s4 =	simm.s32 $0x1BF5;
	[smem:$0x3FBC] =	sst s0  }
0x18: {  	s0 =	sld [smem:$0x3F9F];
	_ =	swait.ge [sflag:s4], $0x0  }
0x19: {  	s7 =	sld [smem:$0x3FA0]  }
0x1a: {  	s8 =	sadd.s32 $0xFFFFE003, lr  }
0x1b: {  	s9 =	sadd.s32 $0xFFFFFEF7, lr;
	s5 =	simm.s32 $0xFFFFFFFF;
	p2 =	slt.u32 s8, $0xFFFFF086  }
0x1c: {  	p1 =	slt.u32 s9, $0xF7A;
	s5 =	simm.s32 @!p2 $0x0  }
0x1d: {  	s5 =	simm.s32 @p1 $0x1;
	p0 =	seq.s32 s7, s2  }
0x1e: {  	s7 =	smul.u32 @!p0 $0xF7A, s2;
	p2 =	seq.s32 @!p0 s5, $0x0  }
0x1f: {  	s9 =	smul.u32 $0xF7A, s1;
	s8 =	simm.s32 @!p0 $0x1BF5;
	p2 =	por !p2, p0  }
0x20: {  	[sflag:s8] =	ssyncset.s32 @!p0 $0xFFFFF086;
	s6 =	sadd.s32 @!p0 s3, s7;
	s7 =	simm.s32 @!p0 $0x108  }
0x21: {  	s3 =	sadd.s32 s3, s9;
	s6 =	sadd.s32 @!p0 $0x88, s6;
	s7 =	simm.s32 @p2 $0x1082  }
0x22: {  	[simem:s7], [sflag:s8] =	dma.local @!p0 [hbm:s6], $0xF7A  }
0x23: {  	s9 =	sor.u32 $0xD0000000, s2;
	s6 =	simm.s32 $0x108;
	_ =	swait.ge @!p0 [sflag:s8], $0x0  }
0x24: {  	s3 =	sadd.s32 $0x88, s3;
	s6 =	simm.s32 @!p1 $0x1082;
	[sflag:s4] =	ssyncset.s32 $0xFFFFF086  }
0x25: {  	[simem:s6], [sflag:s4] =	dma.local [hbm:s3], $0xF7A  }
0x26: {  	[smem:$0x3FA0] =	sst s1;
	(tag) =	ssettag s2;
	_ =	strace s9  }
0x27: {  	s1 =	sld [smem:$0x3FB0]  }
0x28: {  	s2 =	sld [smem:$0x3FB1]  }
0x29: {  	s4 =	sld [smem:$0x3FB3]  }
0x2a: {  	p0 =	seq.s32 s5, $0x0;
	s5 =	sld [smem:$0x3FB4]  }
0x2b: {  	s6 =	sld [smem:$0x3FB5]  }
0x2c: {  	s7 =	sld [smem:$0x3FB6]  }
0x2d: {  	s3 =	simm.s32 $0x108;
	s8 =	sld [smem:$0x3FB7]  }
0x2e: {  	s3 =	simm.s32 @!p0 $0x1082;
	s9 =	sld [smem:$0x3FB8]  }
0x2f: {  	lr =	sadd.s32 s0, s3;
	s0 =	sld [smem:$0x3FAF]  }
0x30: {  	s3 =	sld [smem:$0x3FB2]  }
0x31: {  	[smem:$0x3FBB] =	sst s10  }
0x32: {  	s10 =	sld [smem:$0x3FB9];
	_ =	sdelay $0x3  }
0x33: {  	p0 =	seq.s32 s10, $0x1;
	s10 =	sld [smem:$0x3FBB];
	_ =	sdelay $0x3  }
0x34: {  	[smem:$0x3FBB] =	sst s10  }
0x35: {  	s10 =	sld [smem:$0x3FBA];
	_ =	sdelay $0x3  }
0x36: {  	p1 =	seq.s32 s10, $0x1;
	s10 =	sld [smem:$0x3FBB];
	_ =	sdelay $0x3  }
0x37: {  	[smem:$0x3FBB] =	sst s10  }
0x38: {  	s10 =	sld [smem:$0x3FBC]  }
0x39: {  	_ = 	snop;
	(pc) =	sbr.ind lr, $3  }
0x3a: {  	_ = 	snop  }
0x3b: {  	_ = 	snop  }
0x3c: {  	p2 =	seq.s32 s10, $0x1;
	s10 =	sld [smem:$0x3FBB]  }
0x3d: {  	_ =	shalt  }
0x3e: {  	_ =	shalt  }
0x3f: {  	_ =	shalt  }
0x40: {  	_ =	shalt  }
0x41: {  	_ =	shalt  }
0x42: {  	_ =	shalt  }
0x43: {  	_ =	shalt  }
0x44: {  	_ =	shalt  }
0x45: {  	_ =	shalt  }
0x46: {  	_ =	shalt  }
0x47: {  	_ =	shalt  }
0x48: {  	_ =	shalt  }
0x49: {  	_ =	shalt  }
0x4a: {  	_ =	shalt  }
0x4b: {  	_ =	shalt  }
0x4c: {  	_ =	shalt  }
0x4d: {  	_ =	shalt  }
0x4e: {  	_ =	shalt  }
0x4f: {  	_ =	shalt  }
0x50: {  	_ =	shalt  }
0x51: {  	_ =	shalt  }
0x52: {  	_ =	shalt  }
0x53: {  	_ =	shalt  }
0x54: {  	_ =	shalt  }
0x55: {  	_ =	shalt  }
0x56: {  	_ =	shalt  }
0x57: {  	_ =	shalt  }
0x58: {  	_ =	shalt  }
0x59: {  	_ =	shalt  }
0x5a: {  	_ =	shalt  }
0x5b: {  	_ =	shalt  }
0x5c: {  	_ =	shalt  }
0x5d: {  	_ =	shalt  }
0x5e: {  	_ =	shalt  }
0x5f: {  	_ =	shalt  }
0x60: {  	_ =	shalt  }
0x61: {  	_ =	shalt  }
0x62: {  	_ =	shalt  }
0x63: {  	_ =	shalt  }
0x64: {  	_ =	shalt  }
0x65: {  	_ =	shalt  }
0x66: {  	_ =	shalt  }
0x67: {  	_ =	shalt  }
0x68: {  	_ =	shalt  }
0x69: {  	_ =	shalt  }
0x6a: {  	_ =	shalt  }
0x6b: {  	_ =	shalt  }
0x6c: {  	_ =	shalt  }
0x6d: {  	_ =	shalt  }
0x6e: {  	_ =	shalt  }
0x6f: {  	_ =	shalt  }
0x70: {  	_ =	shalt  }
0x71: {  	_ =	shalt  }
0x72: {  	_ =	shalt  }
0x73: {  	_ =	shalt  }
0x74: {  	_ =	shalt  }
0x75: {  	_ =	shalt  }
0x76: {  	_ =	shalt  }
0x77: {  	_ =	shalt  }
0x78: {  	_ =	shalt  }
0x79: {  	_ =	shalt  }
0x7a: {  	_ =	shalt  }
0x7b: {  	_ =	shalt  }
0x7c: {  	_ =	shalt  }
0x7d: {  	_ =	shalt  }
0x7e: {  	_ =	shalt  }
0x7f: {  	_ =	shalt  }
0x80: {  	_ =	shalt  }
0x81: {  	_ =	shalt  }
0x82: {  	_ =	shalt  }
0x83: {  	_ =	shalt  }
0x84: {  	_ =	shalt  }
0x85: {  	_ =	shalt  }
0x86: {  	_ =	shalt  }
0x87: {  	_ =	shalt  }
.Lfunc_end0:
.L_simem_size_0:
called_computation_lowered:
.L_overlay_start_0:
0x88: {  	s2 =	sld [smem:$0x3FD9]  }
0x89: {  	s3 =	sld [smem:$0x3FFE];
	_ =	sdelay $0x1  }
0x8a: {  	s1 =	srdreg.scid  }
0x8b: {  	s0 =	sand.u32 $0x1, s1  }
0x8c: {  	s17 =	sshll.u32 s0, $0xA;
	s2 =	sadd.s32 s3, s2  }
0x8d: {  	s2 =	sadd.s32 s2, s17  }
0x8e: {  	[smem:$0x3FC7] =	sst s2  }
0x8f: {  	_ = 	snop  }
0x90: {  	s2 =	sld [smem:$0x3FC9]  }
0x91: {  	s18 =	sld [smem:$0x3FD0];
	(tm) =	ssettm $0x1  }
0x92: {  	s4 =	sld [smem:$0x3FFB];
	_ =	sdelay $0x3  }
0x93: {  	_ =	strace s4  }
0x94: {  	s4 =	sld [smem:$0x3FFC];
	_ =	sdelay $0x3  }
0x95: {  	_ =	strace s4  }
0x96: {  	s4 =	sld [smem:$0x3FFD];
	_ =	sdelay $0x3  }
0x97: {  	_ =	strace s4  }
0x98: {  	_ =	strace $0x8FFFFFFF  }
0x99: {  	s19 =	sld [smem:$0x3FDB];
	_ =	sdelay $0x1  }
0x9a: {  	s5 =	simm.s32 $_scs_section_size  }
0x9b: {  	s6 =	simm.s32 $_size__tile_overlayer_lowered;
	s7 =	simm.s32 $_tile_overlayer_lowered  }
0x9c: {  	s22 =	simm.s32 $0x1BFF;
	s21 =	sshll.u32 s7, $0x1;
	s4 =	sadd.s32 s5, s19  }
0x9d: {  	s8 =	simm.s32 $0x0;
	s20 =	sshll.u32 s6, $0x1;
	s6 =	sadd.s32 s21, s4  }
0x9e: {  	[timem:s8], [sflag:s22] =	dma.local [hbm:s6], s20  }
0x9f: {  	_ =	swait.ge [sflag:s22], s20  }
0xa0: {  	s5 =	ssub.s32 $0x0, s20;
	[sflag:s22] =	ssyncset.done $0x0  }
0xa1: {  	[sflag:s22] =	ssyncadd.s32 s5;
	_ =	sdelay $0x1  }
0xa2: {  	s23 =	simm.s32 $0x1B8B  }
0xa3: {  	_ =	swait.ge [sflag:s23], $0x1  }
0xa4: {  	[sflag:s23] =	ssyncset.done $0x0  }
0xa5: {  	s25 =	simm.s32 $0x1B8E;
	s24 =	sld [smem:$0x3FFE];
	[sflag:s23] =	ssyncadd.s32 $0xFFFFFFFF  }
0xa6: {  	s26 =	simm.s32 $execute0_lowered;
	[smem:$0x3FD2] =	sst s25  }
0xa7: {  	s6 =	sshll.u32 s26, $0x1;
	_ =	strace $0x80000046;
	[dreg:$0x1] =	wrdreg $0xFFFFFFFF  }
0xa8: {  	s28 =	simm.s32 $_size_execute0_lowered;
	s4 =	sadd.s32 s4, s6;
	[dreg:$0x0] =	wrdreg $0x0  }
0xa9: {  	s6 =	sshll.u32 s28, $0x1;
	[dreg:$0x2] =	wrdreg s4  }
0xaa: {  	[dreg:$0x3] =	wrdreg s6  }
0xab: {  	[dreg:$0x4] =	wrdreg $0xC0  }
0xac: {  	_ =	task [dreg:s8], $0x5FFFF  }
0xad: {  	[dreg:$0x1] =	wrdreg $0xFFFFFFFF  }
0xae: {  	[dreg:$0x0] =	wrdreg $0x60  }
0xaf: {  	[dreg:$0x2] =	wrdreg s2  }
0xb0: {  	[dreg:$0x3] =	wrdreg s24  }
0xb1: {  	[dreg:$0x4] =	wrdreg s18  }
0xb2: {  	[dreg:$0x5] =	wrdreg $0x150800  }
0xb3: {  	[dreg:$0x6] =	wrdreg $0x9  }
0xb4: {  	_ =	task.clear_ibuf [dreg:s8], $0x7FFFF;
	_ =	strace $0x90000046  }
0xb5: {  	s29 =	simm.s32 $0x9;
	_ =	strace $0x80000048  }
0xb6: {  	_ =	swait.ge [sflag:s29], $0x1  }
0xb7: {  	[sflag:s29] =	ssyncadd.s32 $0xFFFFFFFF  }
0xb8: {  	_ =	strace $0x90000048  }
0xb9: {  	_ =	sfence  }
0xba: {  	s30 =	sld [smem:$0x0];
	_ =	sdelay $0x2  }
0xbb: {  	s31 =	sshll.u32 s1, $0xD;
	s1 =	sshrl.u32 s1, $0x2  }
0xbc: {  	s3 =	sand.u32 $0x4000, s31;
	s1 =	sadd.s32 s1, s30  }
0xbd: {  	s0 =	sor.u32 s3, s0;
	s1 =	sshll.u32 s1, $0x11  }
0xbe: {  	s0 =	sor.u32 s1, s0  }
0xbf: {  	s0 =	sadd.s32 $0x8F2B, s0  }
0xc0: {  	[sflag:s0] =	ssyncadd.remote.s32 $0x1  }
0xc1: {  	_ =	sfence.sel $0xFFFF  }
0xc2: {  	[dreg:$0x0] =	wrdreg $0xFFFFFFFF;
	(pc) =	sbr.abs _section_cstart, $3  }
0xc3: {  	[dreg:$0x1] =	wrdreg $0xFFFFFFFF  }
0xc4: {  	_ =	task.clear_ibuf [dreg:s8], $0x2FFFF;
	_ =	strace $0x9FFFFFFF  }
0xc5: {  	(tm) =	ssettm $0x7FFFFFFF  }
tec
execute0_lowered:
.L_overlay_start_1:
0x0: {  	(tag) =	ssettag $0x1  }
0x1: {  	s3 =	rddreg [dreg:$0x0]  }
0x2: {  	s2 =	rddreg [dreg:$0x1]  }
0x3: {  	s10 =	rddreg [dreg:$0x2]  }
0x4: {  	s9 =	rddreg [dreg:$0x3]  }
0x5: {  	s4 =	srdreg.scid;
	s0 =	rddreg [dreg:$0x4];
	s1 =	simm.s32 $0x0  }
0x6: {  	s4 =	sand.u32 $0x1, s4;
	[smem:$0x7FF] =	sst s1;
	s7 =	sadd.s32 $0x400, s2  }
0x7: {  	s2 =	stileid.u32;
	s5 =	ssub.s32 $0x2, s4;
	_ =	strace $0x80000047  }
0x8: {  	s25 =	sshll.u32 s4, $0x4;
	s26 =	sshll.u32 s4, $0x1;
	s4 =	smul.u32 $0x7, s4  }
0x9: {  	s28 =	sshrl.u32 s2, $0x1;
	s29 =	sshll.u32 s2, $0xD;
	s15 =	sshrl.u32 s2, $0x3  }
0xa: {  	s30 =	sshll.u32 s2, $0x7;
	s6 =	sshrl.u32 s5, $0x1;
	s16 =	smul.u32 $0x28000, s15  }
0xb: {  	s12 =	sxor.u32 $0xE, s26;
	s13 =	sand.u32 $0x2000, s29;
	s15 =	smul.u32 $0xA000, s15  }
0xc: {  	s17 =	sand.u32 $0x380, s30;
	s11 =	ssub.s32 s5, s6;
	s5 =	sor.u32 s2, s25  }
0xd: {  	p0 =	slt.u32 s2, s12;
	s4 =	sadd.s32 s28, s4;
	s6 =	sadd.s32 s3, s13  }
0xe: {  	s10 =	sadd.s32 s10, s13;
	s13 =	simm.s32 $0x400;
	p1 =	slt.u32 s4, $0xC  }
0xf: {  	p2 =	seq.s32 s4, $0xC;
	s3 =	sadd.s32 $0x30000, s6;
	s14 =	sshll.u32 s4, $0xE  }
0x10: {  	s8 =	smul.u32 $0x1400, s5;
	s5 =	sshll.u32 s5, $0x4;
	s31 =	sshrl.u32 s16, $0x2  }
0x11: {  	s15 =	sor.u32 s15, s17;
	s11 =	smax.u32 s11, $0x1;
	s16 =	simm.s32 $0x0  }
0x12: {  	p1 =	por !p0, !p1;
	p2 =	por !p0, !p2;
	s4 =	sadd.s32 s14, s6  }
0x13: {  	s5 =	sadd.s32 s5, s7;
	s15 =	sxor.u32 $0x80, s15;
	s10 =	sadd.s32 s14, s10  }
.Ltmp0:
0x14: {  	s14 =	simm.s32 $0x13C00;
	p0 =	por !p1, !p1;
	(pc) =	sbr.rel .LBB2_1-.Ltmp0, $4  }
0x15: {  	p1 =	por !p2, !p2;
	s5 =	sadd.s32 $0xA000, s5;
	s8 =	sshrl.u32 s8, $0x3  }
0x16: {  	p2 =	sge.u32 s2, s12;
	s12 =	simm.s32 $0x80;
	s6 =	sadd.s32 s7, s8  }
0x17: {  	s8 =	sadd.s32 s31, s9;
	s9 =	sadd.s32 s15, s9;
	p3 =	por !p0, p2  }
0x18: {  	v0 =	vlaneseq.u32;
	s15 =	simm.s32 $0x2;
	s7 =	sadd.s32 $0x5000, s6;
	s8 =	sadd.s32 s17, s8  }
.LBB2_17:
0x19: {  	[bflag:$0x0] =	sbarrier.arrive $0xFFFF  }
.LBB2_18:
0x1a: {  	s16 =	sadd.s32 $0x1, s16  }
0x1b: {  	p4 =	sne.s32 s16, s11  }
.Ltmp1:
0x1c: {  	_ = 	snop;
	(pc) =	sbr.rel @!p4 .LBB2_19-.Ltmp1, $1  }
0x1d: {  	_ =	sdelay $0x3  }
.LBB2_1:
.Ltmp2:
0x1e: {  	(pc) =	sbr.rel @!p0 .LBB2_3-.Ltmp2, $1  }
0x1f: {  	_ =	sdelay $0x3  }
.Ltmp3:
0x20: {  	(pc) =	sbr.rel .LBB2_7-.Ltmp3, $3  }
0x21: {  	_ =	sdelay $0x1  }
0x22: {  	[tilespmem:s1], [sflag:$0x1] =	stream.linear.gather [hbm4b:s4+s1], $0x10000, $0x38;
	[tilespmem:$0x16480] =	vst v63  }
0x23: {  	p4 =	por $0x0, $0x0  }
.LBB2_3:
.Ltmp4:
0x24: {  	(pc) =	sbr.rel @!p1 .LBB2_7-.Ltmp4, $2  }
0x25: {  	_ =	sdelay $0x2  }
0x26: {  	p4 =	por $0x0, $0x0  }
0x27: {  	s17 =	simm.s32 $0x0;
	s18 =	simm.s32 $0x0  }
.LBB2_5:
0x28: {  	p4 =	sne.s32 s18, $0x1F80  }
.Ltmp5:
0x29: {  	_ = 	snop;
	(pc) =	sbr.rel @p4 .LBB2_5-.Ltmp5, $4  }
0x2a: {  	_ = 	snop  }
0x2b: {  	s19 =	sadd.s32 s18, s3  }
0x2c: {  	[tilespmem:s17], [sflag:$0x1] =	stream.linear.gather [hbm4b:s19+s1], $0x200, $0x38;
	[tilespmem:$0x16480] =	vst v63  }
0x2d: {  	s18 =	sadd.s32 $0x80, s18;
	s17 =	sadd.s32 $0x400, s17  }
0x2e: {  	p4 =	por $0x1, $0x1  }
.LBB2_7:
0x2f: {  	s17 =	simm.s32 @!p2 $0x0;
	s18 =	simm.s32 @!p2 $0x15000  }
0x30: {  	[tilespmem:s18], [sflag:$0x2] =	stream.linear.gather @!p2 [hbm4b:s5+s17], $0x80, $0x38;
	[tilespmem:$0x16480] =	vst v63  }
0x31: {  	s18 =	simm.s32 @!p2 $0x2  }
0x32: {  	_ =	swait.ge @!p2 [sflag:s18], $0x80  }
0x33: {  	[sflag:s18] =	ssyncset.done @!p2 $0x0  }
0x34: {  	s19 =	simm.s32 @!p2 $0x10000;
	[sflag:s18] =	ssyncadd.s32 @!p2 $0xFFFFFF80  }
0x35: {  	[tilespmem:s19], [sflag:$0x2] =	stream.linear.gather @!p2 [hbm4b:s6+s17], $0x1400, $0x38;
	[tilespmem:$0x16480] =	vst v63  }
0x36: {  	_ =	swait.ge @!p2 [sflag:s18], $0x1400  }
0x37: {  	[sflag:s18] =	ssyncset.done @!p2 $0x0  }
0x38: {  	s19 =	simm.s32 @!p2 $0x11400;
	[sflag:s18] =	ssyncadd.s32 @!p2 $0xFFFFEC00  }
0x39: {  	[tilespmem:s19], [sflag:$0x2] =	stream.linear.gather @!p2 [hbm4b:s7+s17], $0x1400, $0x38;
	[tilespmem:$0x16480] =	vst v63  }
0x3a: {  	_ =	swait.ge @!p2 [sflag:s18], $0x1400  }
0x3b: {  	[sflag:s18] =	ssyncset.done @!p2 $0x0  }
0x3c: {  	s17 =	simm.s32 @!p3 $0x1;
	[sflag:s18] =	ssyncadd.s32 @!p2 $0xFFFFEC00  }
0x3d: {  	_ =	swait.ge @!p3 [sflag:s17], $0x10000  }
.Ltmp6:
0x3e: {  	[sflag:s17] =	ssyncset.done @!p3 $0x0;
	(pc) =	sbr.rel @p2 .LBB2_17-.Ltmp6, $4  }
0x3f: {  	[sflag:s17] =	ssyncadd.s32 @!p3 $0xFFFF0000;
	s17 =	simm.s32 @p4 $0x1  }
0x40: {  	_ =	swait.ge @p4 [sflag:s17], $0x8000  }
0x41: {  	[sflag:s17] =	ssyncset.done @p4 $0x0  }
0x42: {  	[sflag:s17] =	ssyncadd.s32 @p4 $0xFFFF8000  }
0x43: {  	s17 =	simm.s32 $0x10040  }
0x44: {  	v1 =	vld [tilespmem:s17+$0x30]  }
0x45: {  	v2 =	vld [tilespmem:s17+$0xFFFFFFD0]  }
0x46: {  	v3 =	vld [tilespmem:s17+$0xFFFFFFE0]  }
0x47: {  	v4 =	vld [tilespmem:s17+$0xFFFFFFF0]  }
0x48: {  	v7 =	vld [tilespmem:s17+$0x0]  }
0x49: {  	v10 =	vld [tilespmem:s17+$0x10]  }
0x4a: {  	v11 =	vld [tilespmem:s17+$0x20]  }
0x4b: {  	v5 =	vshrl.u32 v1, $0xA;
	v6 =	vshrl.u32 v1, $0x13  }
0x4c: {  	v8 =	vld [tilespmem:s17+$0xFFFFFFC0];
	v1 =	vshrl.u32 v1, $0xD;
	v9 =	vshrl.u32 v2, $0xA;
	v12 =	vshrl.u32 v3, $0xA  }
0x4d: {  	v13 =	vshrl.u32 v4, $0xA;
	v14 =	vshrl.u32 v4, $0x13;
	v15 =	vshrl.u32 v7, $0xA  }
0x4e: {  	v16 =	vshrl.u32 v7, $0x13;
	v17 =	vshrl.u32 v10, $0xA;
	v18 =	vshrl.u32 v10, $0x13  }
0x4f: {  	v19 =	vshrl.u32 v11, $0xA;
	v5 =	vand.u32 $0xFC00, v5;
	v6 =	vand.u32 $0x380, v6  }
0x50: {  	v20 =	vshrl.u32 v11, $0x13;
	v1 =	vand.u32 $0x7F, v1;
	v5 =	vor.u32 v6, v5  }
0x51: {  	v21 =	vshrl.u32 v8, $0xA;
	v22 =	vshrl.u32 v8, $0x13;
	v1 =	vor.u32 v1, v5  }
0x52: {  	v4 =	vshrl.u32 v4, $0xD;
	v23 =	vand.u32 $0xFC00, v9;
	v9 =	vand.u32 $0xFC00, v21  }
0x53: {  	v62 =	vand.u32 $0x380, v22;
	v12 =	vand.u32 $0xFC00, v12;
	v25 =	vand.u32 $0xFC00, v13  }
0x54: {  	v14 =	vand.u32 $0x380, v14;
	v26 =	vand.u32 $0xFC00, v15;
	v16 =	vand.u32 $0x380, v16  }
0x55: {  	v17 =	vand.u32 $0xFC00, v17;
	v18 =	vand.u32 $0x380, v18;
	v19 =	vand.u32 $0xFC00, v19  }
0x56: {  	v20 =	vand.u32 $0x380, v20;
	v6 =	vshrl.u32 v2, $0x13;
	v9 =	vor.u32 v62, v9;
	v27 =	vld.idx.msk [tilespmem:v1+s1+$0x0], $0xffff  }
0x57: {  	v5 =	vshrl.u32 v3, $0x13;
	v63 =	vand.u32 $0x380, v6;
	v6 =	vshrl.u32 v2, $0xD  }
0x58: {  	v2 =	vshrl.u32 v11, $0xD;
	v11 =	vor.u32 v14, v25;
	v14 =	vor.u32 v16, v26  }
0x59: {  	v24 =	vand.u32 $0x380, v5;
	v5 =	vshrl.u32 v8, $0xD;
	v8 =	vshrl.u32 v3, $0xD  }
0x5a: {  	s19 =	simm.s32 $0x12840;
	s21 =	simm.s32 $0x0;
	s18 =	simm.s32 $0x11440;
	v3 =	vshrl.u32 v7, $0xD;
	v7 =	vshrl.u32 v10, $0xD;
	v15 =	vor.u32 v63, v23;
	v1 =	vld [tilespmem:$0x15000]  }
0x5b: {  	s22 =	simm.s32 $0x100C0;
	s20 =	simm.s32 $0x12840;
	s17 =	simm.s32 $0x13C40;
	v10 =	vor.u32 v20, v19;
	v13 =	vor.u32 v24, v12;
	v12 =	vor.u32 v18, v17;
	[tilespmem:s19+$0x30] =	vst v27  }
.LBB2_9:
0x5c: {  	v16 =	vld [tilespmem:s22+$0x30];
	s21 =	sadd.s32 $0x8, s21;
	v5 =	vand.u32 $0x7F, v5;
	v6 =	vand.u32 $0x7F, v6;
	v8 =	vand.u32 $0x7F, v8  }
0x5d: {  	v4 =	vand.u32 $0x7F, v4;
	v3 =	vand.u32 $0x7F, v3;
	v7 =	vand.u32 $0x7F, v7;
	v17 =	vld [tilespmem:s22+$0xFFFFFFD0];
	p4 =	slt.u32 s21, $0x138  }
0x5e: {  	v2 =	vand.u32 $0x7F, v2;
	v5 =	vor.u32 v5, v9;
	v6 =	vor.u32 v6, v15;
	v18 =	vld [tilespmem:s22+$0xFFFFFFE0]  }
0x5f: {  	v8 =	vor.u32 v8, v13;
	v4 =	vor.u32 v4, v11;
	v3 =	vor.u32 v3, v14;
	v9 =	vld [tilespmem:s22+$0xFFFFFFF0]  }
0x60: {  	v7 =	vor.u32 v7, v12;
	v2 =	vor.u32 v2, v10;
	v11 =	vld [tilespmem:s22+$0x0]  }
0x61: {  	v10 =	vld [tilespmem:s22+$0x10];
	v12 =	vshrl.u32 v16, $0xA;
	v13 =	vshrl.u32 v16, $0x13  }
0x62: {  	v15 =	vshrl.u32 v16, $0xD;
	v14 =	vld [tilespmem:s22+$0x20];
	v12 =	vand.u32 $0xFC00, v12;
	v13 =	vand.u32 $0x380, v13  }
0x63: {  	v19 =	vshrl.u32 v17, $0xA;
	v15 =	vand.u32 $0x7F, v15;
	v16 =	vld [tilespmem:s22+$0xFFFFFFC0];
	v12 =	vor.u32 v13, v12  }
0x64: {  	v13 =	vshrl.u32 v17, $0x13;
	v20 =	vshrl.u32 v18, $0xA;
	v12 =	vor.u32 v15, v12;
	v5 =	vld.idx.msk [tilespmem:v5+s1+$0x0], $0xffff  }
0x65: {  	v15 =	vshrl.u32 v18, $0x13;
	v21 =	vshrl.u32 v9, $0xA;
	v22 =	vshrl.u32 v9, $0x13;
	v6 =	vld.idx.msk [tilespmem:v6+s1+$0x0], $0xffff  }
0x66: {  	v23 =	vshrl.u32 v11, $0xA;
	v24 =	vshrl.u32 v11, $0x13;
	v25 =	vshrl.u32 v10, $0xA;
	v8 =	vld.idx.msk [tilespmem:v8+s1+$0x0], $0xffff  }
0x67: {  	v26 =	vshrl.u32 v10, $0x13;
	v27 =	vshrl.u32 v14, $0xA;
	v28 =	vshrl.u32 v14, $0x13;
	v4 =	vld.idx.msk [tilespmem:v4+s1+$0x0], $0xffff  }
0x68: {  	v19 =	vand.u32 $0xFC00, v19;
	v29 =	vshrl.u32 v16, $0xA;
	v30 =	vshrl.u32 v16, $0x13;
	v31 =	vld.idx.msk [tilespmem:v3+s1+$0x0], $0xffff  }
0x69: {  	v13 =	vand.u32 $0x380, v13;
	v29 =	vand.u32 $0xFC00, v29;
	v30 =	vand.u32 $0x380, v30;
	v12 =	vld.idx.msk [tilespmem:v12+s1+$0x0], $0xffff  }
0x6a: {  	v20 =	vand.u32 $0xFC00, v20;
	v32 =	vand.u32 $0x380, v15;
	v21 =	vand.u32 $0xFC00, v21;
	[tilespmem:s19+$0xFFFFFFC0] =	vst v5;
	v33 =	vld.idx.msk [tilespmem:v7+s1+$0x0], $0xffff  }
0x6b: {  	v22 =	vand.u32 $0x380, v22;
	v23 =	vand.u32 $0xFC00, v23;
	v24 =	vand.u32 $0x380, v24;
	[tilespmem:s19+$0xFFFFFFD0] =	vst v6;
	v34 =	vld.idx.msk [tilespmem:v2+s1+$0x0], $0xffff  }
0x6c: {  	v25 =	vand.u32 $0xFC00, v25;
	v26 =	vand.u32 $0x380, v26;
	v27 =	vand.u32 $0xFC00, v27;
	[tilespmem:s19+$0xFFFFFFE0] =	vst v8  }
.Ltmp7:
0x6d: {  	v5 =	vshrl.u32 v16, $0xD;
	v16 =	vand.u32 $0x380, v28;
	v6 =	vshrl.u32 v17, $0xD;
	[tilespmem:s19+$0xFFFFFFF0] =	vst v4;
	(pc) =	sbr.rel @p4 .LBB2_9-.Ltmp7, $4  }
0x6e: {  	v3 =	vshrl.u32 v11, $0xD;
	v8 =	vshrl.u32 v18, $0xD;
	v4 =	vshrl.u32 v9, $0xD;
	s19 =	sadd.s32 $0x80, s19;
	[tilespmem:s20+$0x0] =	vst v31  }
0x6f: {  	v7 =	vshrl.u32 v10, $0xD;
	v2 =	vshrl.u32 v14, $0xD;
	v9 =	vor.u32 v30, v29;
	[tilespmem:s19+$0x30] =	vst v12  }
0x70: {  	v15 =	vor.u32 v13, v19;
	v13 =	vor.u32 v32, v20;
	v11 =	vor.u32 v22, v21;
	[tilespmem:s20+$0x10] =	vst v33  }
0x71: {  	s22 =	sadd.s32 $0x80, s22;
	v14 =	vor.u32 v24, v23;
	v10 =	vor.u32 v16, v27;
	v12 =	vor.u32 v26, v25;
	[tilespmem:s20+$0x20] =	vst v34;
	s20 =	smov.u32 s19  }
0x72: {  	v5 =	vand.u32 $0x7F, v5  }
0x73: {  	v6 =	vand.u32 $0x7F, v6;
	v5 =	vor.u32 v5, v9  }
0x74: {  	v8 =	vand.u32 $0x7F, v8;
	v6 =	vor.u32 v6, v15  }
0x75: {  	v4 =	vand.u32 $0x7F, v4;
	v8 =	vor.u32 v8, v13  }
0x76: {  	v3 =	vand.u32 $0x7F, v3;
	v4 =	vor.u32 v4, v11  }
0x77: {  	v2 =	vand.u32 $0x7F, v2;
	v3 =	vor.u32 v3, v14  }
0x78: {  	v7 =	vand.u32 $0x7F, v7;
	v2 =	vor.u32 v2, v10;
	v5 =	vld.idx.msk [tilespmem:v5+s1+$0x0], $0xffff  }
0x79: {  	v7 =	vor.u32 v7, v12;
	v6 =	vld.idx.msk [tilespmem:v6+s1+$0x0], $0xffff  }
0x7a: {  	v8 =	vld.idx.msk [tilespmem:v8+s1+$0x0], $0xffff  }
0x7b: {  	v4 =	vld.idx.msk [tilespmem:v4+s1+$0x0], $0xffff  }
0x7c: {  	v3 =	vld.idx.msk [tilespmem:v3+s1+$0x0], $0xffff  }
0x7d: {  	v2 =	vld.idx.msk [tilespmem:v2+s1+$0x0], $0xffff;
	[tilespmem:s19+$0xFFFFFFC0] =	vst v5  }
0x7e: {  	v5 =	vld.idx.msk [tilespmem:v7+s1+$0x0], $0xffff;
	[tilespmem:s19+$0xFFFFFFD0] =	vst v6  }
0x7f: {  	[tilespmem:s19+$0xFFFFFFE0] =	vst v8  }
0x80: {  	[tilespmem:s19+$0xFFFFFFF0] =	vst v4  }
0x81: {  	[tilespmem:s20+$0x0] =	vst v3  }
0x82: {  	[tilespmem:s20+$0x20] =	vst v2  }
0x83: {  	[tilespmem:s20+$0x10] =	vst v5  }
0x84: {  	v2 =	vld [tilespmem:s18+$0x30]  }
0x85: {  	v3 =	vld [tilespmem:s18+$0xFFFFFFD0]  }
0x86: {  	v5 =	vld [tilespmem:s18+$0xFFFFFFF0]  }
0x87: {  	v7 =	vld [tilespmem:s18+$0x10]  }
0x88: {  	v9 =	vld [tilespmem:s18+$0x20]  }
0x89: {  	v11 =	vld [tilespmem:s18+$0xFFFFFFC0];
	_ =	sdelay $0x1  }
0x8a: {  	v4 =	vld [tilespmem:s18+$0xFFFFFFE0]  }
0x8b: {  	v6 =	vld [tilespmem:s18+$0x0];
	v8 =	vshrl.u32 v2, $0x6;
	v10 =	vand.u32 $0x7F, v2;
	v2 =	vshll.u32 v2, $0x3  }
0x8c: {  	v12 =	vshrl.u32 v3, $0x6;
	v13 =	vshrl.u32 v5, $0x6;
	v14 =	vshrl.u32 v7, $0x6  }
0x8d: {  	v15 =	vand.u32 $0x7F, v3;
	v16 =	vshrl.u32 v9, $0x6;
	v17 =	vand.u32 $0x7F, v11  }
0x8e: {  	v18 =	vshrl.u32 v11, $0x6;
	v11 =	vshll.u32 v11, $0x3;
	v3 =	vshll.u32 v3, $0x3  }
0x8f: {  	v19 =	vand.u32 $0x7F, v4;
	v20 =	vand.u32 $0x7F, v5;
	v5 =	vshll.u32 v5, $0x3  }
0x90: {  	v21 =	vand.u32 $0x7F, v6;
	v22 =	vand.u32 $0x7F, v7;
	v7 =	vshll.u32 v7, $0x3  }
0x91: {  	v23 =	vand.u32 $0x7F, v9;
	v9 =	vshll.u32 v9, $0x3;
	v8 =	vand.u32 $0x380, v8  }
0x92: {  	v2 =	vand.u32 $0xFC00, v2;
	v13 =	vand.u32 $0x380, v13;
	v14 =	vand.u32 $0x380, v14  }
0x93: {  	v16 =	vand.u32 $0x380, v16;
	v18 =	vand.u32 $0x380, v18;
	v11 =	vand.u32 $0xFC00, v11  }
0x94: {  	s31 =	simm.s32 $0x114C0;
	v3 =	vand.u32 $0xFC00, v3;
	v5 =	vand.u32 $0xFC00, v5;
	v7 =	vand.u32 $0xFC00, v7  }
0x95: {  	v9 =	vand.u32 $0xFC00, v9;
	v8 =	vor.u32 v10, v8;
	v17 =	vor.u32 v17, v18;
	v18 =	vld [tilespmem:s31+$0xFFFFFFD0]  }
0x96: {  	v10 =	vshrl.u32 v4, $0x6;
	v4 =	vshll.u32 v4, $0x3;
	v13 =	vor.u32 v20, v13;
	v20 =	vld [tilespmem:s31+$0xFFFFFFF0]  }
0x97: {  	v2 =	vor.u32 v2, v8;
	v11 =	vor.u32 v11, v17;
	v5 =	vor.u32 v5, v13;
	v13 =	vld [tilespmem:s31+$0x10]  }
0x98: {  	v8 =	vand.u32 $0x380, v12;
	v10 =	vand.u32 $0x380, v10;
	v12 =	vshrl.u32 v6, $0x6;
	v17 =	vld [tilespmem:s31+$0x20]  }
0x99: {  	v6 =	vshll.u32 v6, $0x3;
	v4 =	vand.u32 $0xFC00, v4;
	v8 =	vor.u32 v15, v8;
	v15 =	vld [tilespmem:s31+$0x30]  }
0x9a: {  	v12 =	vand.u32 $0x380, v12;
	v10 =	vor.u32 v19, v10;
	v19 =	vld [tilespmem:s31+$0xFFFFFFE0];
	v3 =	vor.u32 v3, v8  }
0x9b: {  	v6 =	vand.u32 $0xFC00, v6;
	v12 =	vor.u32 v21, v12;
	v4 =	vor.u32 v4, v10;
	v10 =	vld [tilespmem:s31+$0x0]  }
0x9c: {  	v14 =	vor.u32 v22, v14;
	v16 =	vor.u32 v23, v16;
	v6 =	vor.u32 v6, v12;
	v11 =	vld.idx.msk [tilespmem:v11+s1+$0x0], $0xffff  }
0x9d: {  	v12 =	vor.u32 v7, v14;
	v14 =	vor.u32 v9, v16;
	v16 =	vshrl.u32 v18, $0x6;
	v28 =	vld.idx.msk [tilespmem:v5+s1+$0x0], $0xffff  }
0x9e: {  	v7 =	vshrl.u32 v15, $0x6;
	v8 =	vand.u32 $0x7F, v15;
	v9 =	vshll.u32 v15, $0x3;
	v15 =	vld [tilespmem:s31+$0xFFFFFFC0]  }
0x9f: {  	v21 =	vshrl.u32 v20, $0x6;
	v23 =	vand.u32 $0x380, v16;
	v7 =	vand.u32 $0x380, v7;
	v16 =	vld.idx.msk [tilespmem:v3+s1+$0x0], $0xffff  }
0xa0: {  	v27 =	vand.u32 $0x7F, v18;
	v9 =	vand.u32 $0xFC00, v9;
	v7 =	vor.u32 v8, v7;
	v8 =	vld.idx.msk [tilespmem:v2+s1+$0x0], $0xffff  }
0xa1: {  	v32 =	vand.u32 $0x7F, v20;
	v21 =	vand.u32 $0x380, v21;
	v30 =	vld.idx.msk [tilespmem:v6+s1+$0x0], $0xffff;
	v22 =	vor.u32 v9, v7  }
0xa2: {  	v31 =	vand.u32 $0x7F, v19;
	v3 =	vshrl.u32 v17, $0x6;
	v2 =	vshrl.u32 v19, $0x6;
	v5 =	vld.idx.msk [tilespmem:v12+s1+$0x0], $0xffff  }
0xa3: {  	v3 =	vand.u32 $0x380, v3;
	v12 =	vshll.u32 v13, $0x3;
	v6 =	vld.idx.msk [tilespmem:v14+s1+$0x0], $0xffff;
	v14 =	vor.u32 v27, v23  }
0xa4: {  	v26 =	vld.idx.msk [tilespmem:v4+s1+$0x0], $0xffff;
	v24 =	vand.u32 $0x380, v2;
	v2 =	vshrl.u32 v10, $0x6;
	v7 =	vshll.u32 v18, $0x3  }
0xa5: {  	v18 =	vand.u32 $0x7F, v13;
	v25 =	vand.u32 $0x380, v2;
	[tilespmem:s17+$0xFFFFFFC0] =	vst v11;
	v4 =	vshrl.u32 v15, $0x6  }
0xa6: {  	[tilespmem:s17+$0xFFFFFFF0] =	vst v28;
	v29 =	vand.u32 $0x7F, v15;
	v9 =	vshll.u32 v15, $0x3;
	v15 =	vand.u32 $0x380, v4;
	v4 =	vld.idx.msk [tilespmem:v22+s1+$0x0], $0xffff  }
0xa7: {  	v2 =	vshrl.u32 v13, $0x6;
	v11 =	vshll.u32 v20, $0x3;
	v13 =	vshll.u32 v17, $0x3;
	[tilespmem:s17+$0xFFFFFFD0] =	vst v16  }
0xa8: {  	v20 =	vor.u32 v31, v24;
	v2 =	vand.u32 $0x380, v2;
	[tilespmem:s17+$0x30] =	vst v8;
	v8 =	vshll.u32 v19, $0x3  }
0xa9: {  	[tilespmem:s17+$0xFFFFFFE0] =	vst v26;
	v19 =	vand.u32 $0x7F, v17;
	v16 =	vor.u32 v29, v15;
	v22 =	vand.u32 $0x7F, v10  }
0xaa: {  	s19 =	simm.s32 $0x8;
	s20 =	simm.s32 $0x11540;
	s18 =	simm.s32 $0x13CC0;
	v17 =	vor.u32 v32, v21;
	[tilespmem:s17+$0x0] =	vst v30;
	v10 =	vshll.u32 v10, $0x3;
	v15 =	vor.u32 v22, v25  }
.LBB2_11:
0xab: {  	v21 =	vld [tilespmem:s20+$0x30];
	s19 =	sadd.s32 $0x8, s19;
	v9 =	vand.u32 $0xFC00, v9;
	v2 =	vor.u32 v18, v2;
	v3 =	vor.u32 v19, v3;
	[tilespmem:s18+$0x30] =	vst v4  }
0xac: {  	v7 =	vand.u32 $0xFC00, v7;
	v8 =	vand.u32 $0xFC00, v8;
	v11 =	vand.u32 $0xFC00, v11;
	v4 =	vld [tilespmem:s20+$0xFFFFFFD0];
	p4 =	slt.u32 s19, $0x138;
	[tilespmem:s17+$0x10] =	vst v5  }
0xad: {  	v10 =	vand.u32 $0xFC00, v10;
	v12 =	vand.u32 $0xFC00, v12;
	v13 =	vand.u32 $0xFC00, v13;
	v5 =	vld [tilespmem:s20+$0xFFFFFFE0];
	[tilespmem:s17+$0x20] =	vst v6;
	s17 =	smov.u32 s18  }
0xae: {  	v9 =	vor.u32 v9, v16;
	v7 =	vor.u32 v7, v14;
	v8 =	vor.u32 v8, v20;
	v6 =	vld [tilespmem:s20+$0xFFFFFFF0]  }
0xaf: {  	v11 =	vor.u32 v11, v17;
	v10 =	vor.u32 v10, v15;
	v12 =	vor.u32 v12, v2;
	v14 =	vld [tilespmem:s20+$0x0]  }
0xb0: {  	v13 =	vor.u32 v13, v3;
	v15 =	vld [tilespmem:s20+$0x10];
	v2 =	vshrl.u32 v21, $0x6  }
0xb1: {  	v3 =	vand.u32 $0x7F, v21;
	v16 =	vshll.u32 v21, $0x3;
	v17 =	vld [tilespmem:s20+$0x20];
	v2 =	vand.u32 $0x380, v2  }
0xb2: {  	v19 =	vshrl.u32 v4, $0x6;
	v16 =	vand.u32 $0xFC00, v16;
	v18 =	vld [tilespmem:s20+$0xFFFFFFC0];
	v2 =	vor.u32 v3, v2  }
0xb3: {  	v3 =	vshrl.u32 v5, $0x6;
	v20 =	vshrl.u32 v6, $0x6;
	v16 =	vor.u32 v16, v2;
	v21 =	vld.idx.msk [tilespmem:v9+s1+$0x0], $0xffff  }
0xb4: {  	v22 =	vand.u32 $0x380, v19;
	v23 =	vand.u32 $0x380, v3;
	v2 =	vshrl.u32 v14, $0x6;
	v19 =	vld.idx.msk [tilespmem:v7+s1+$0x0], $0xffff  }
0xb5: {  	v24 =	vand.u32 $0x380, v20;
	v25 =	vand.u32 $0x380, v2;
	v2 =	vshrl.u32 v15, $0x6;
	v20 =	vld.idx.msk [tilespmem:v8+s1+$0x0], $0xffff  }
0xb6: {  	v26 =	vand.u32 $0x7F, v4;
	v2 =	vand.u32 $0x380, v2;
	v3 =	vshrl.u32 v17, $0x6;
	v27 =	vld.idx.msk [tilespmem:v11+s1+$0x0], $0xffff  }
0xb7: {  	v28 =	vand.u32 $0x7F, v18;
	v7 =	vshrl.u32 v18, $0x6;
	v3 =	vand.u32 $0x380, v3;
	v29 =	vld.idx.msk [tilespmem:v10+s1+$0x0], $0xffff  }
0xb8: {  	v9 =	vshll.u32 v18, $0x3;
	v30 =	vand.u32 $0x380, v7;
	v7 =	vshll.u32 v4, $0x3;
	v4 =	vld.idx.msk [tilespmem:v16+s1+$0x0], $0xffff  }
.Ltmp8:
0xb9: {  	v31 =	vand.u32 $0x7F, v5;
	v32 =	vand.u32 $0x7F, v6;
	v8 =	vshll.u32 v5, $0x3;
	[tilespmem:s18+$0xFFFFFFC0] =	vst v21;
	v5 =	vld.idx.msk [tilespmem:v12+s1+$0x0], $0xffff;
	(pc) =	sbr.rel @p4 .LBB2_11-.Ltmp8, $4  }
0xba: {  	v11 =	vshll.u32 v6, $0x3;
	v10 =	vshll.u32 v14, $0x3;
	v21 =	vand.u32 $0x7F, v14;
	[tilespmem:s18+$0xFFFFFFD0] =	vst v19;
	v6 =	vld.idx.msk [tilespmem:v13+s1+$0x0], $0xffff  }
0xbb: {  	v18 =	vand.u32 $0x7F, v15;
	v12 =	vshll.u32 v15, $0x3;
	v19 =	vand.u32 $0x7F, v17;
	[tilespmem:s18+$0xFFFFFFE0] =	vst v20  }
0xbc: {  	v16 =	vor.u32 v28, v30;
	v14 =	vor.u32 v26, v22;
	v13 =	vshll.u32 v17, $0x3;
	[tilespmem:s18+$0xFFFFFFF0] =	vst v27  }
0xbd: {  	s20 =	sadd.s32 $0x80, s20;
	v17 =	vor.u32 v32, v24;
	v15 =	vor.u32 v21, v25;
	v20 =	vor.u32 v31, v23;
	s18 =	sadd.s32 $0x80, s18;
	[tilespmem:s17+$0x0] =	vst v29  }
0xbe: {  	v9 =	vand.u32 $0xFC00, v9  }
0xbf: {  	v7 =	vand.u32 $0xFC00, v7;
	v9 =	vor.u32 v9, v16  }
0xc0: {  	v8 =	vand.u32 $0xFC00, v8;
	v7 =	vor.u32 v7, v14  }
0xc1: {  	v11 =	vand.u32 $0xFC00, v11;
	v8 =	vor.u32 v8, v20  }
0xc2: {  	v10 =	vand.u32 $0xFC00, v10;
	v11 =	vor.u32 v11, v17  }
0xc3: {  	v2 =	vor.u32 v18, v2;
	v12 =	vand.u32 $0xFC00, v12;
	v10 =	vor.u32 v10, v15  }
0xc4: {  	v3 =	vor.u32 v19, v3;
	v13 =	vand.u32 $0xFC00, v13;
	v2 =	vor.u32 v12, v2;
	v9 =	vld.idx.msk [tilespmem:v9+s1+$0x0], $0xffff  }
0xc5: {  	v3 =	vor.u32 v13, v3;
	v7 =	vld.idx.msk [tilespmem:v7+s1+$0x0], $0xffff  }
0xc6: {  	[tilespmem:s18+$0x30] =	vst v4;
	v4 =	vld.idx.msk [tilespmem:v8+s1+$0x0], $0xffff  }
0xc7: {  	[tilespmem:s17+$0x10] =	vst v5;
	v5 =	vld.idx.msk [tilespmem:v11+s1+$0x0], $0xffff  }
0xc8: {  	[tilespmem:s17+$0x20] =	vst v6;
	v6 =	vld.idx.msk [tilespmem:v10+s1+$0x0], $0xffff  }
0xc9: {  	v2 =	vld.idx.msk [tilespmem:v2+s1+$0x0], $0xffff;
	[tilespmem:s18+$0xFFFFFFC0] =	vst v9  }
0xca: {  	v3 =	vld.idx.msk [tilespmem:v3+s1+$0x0], $0xffff;
	[tilespmem:s18+$0xFFFFFFD0] =	vst v7  }
0xcb: {  	[tilespmem:s18+$0xFFFFFFE0] =	vst v4  }
0xcc: {  	[tilespmem:s18+$0xFFFFFFF0] =	vst v5  }
0xcd: {  	[tilespmem:s18+$0x0] =	vst v6  }
0xce: {  	[tilespmem:s18+$0x10] =	vst v2  }
0xcf: {  	[tilespmem:s18+$0x20] =	vst v3  }
0xd0: {  	[spmem:s8] =	stream.strided.scatter [tilespmem:s14], [sflag:$0x2], $0x1400, s13, s12, $0x38;
	[tilespmem:$0x16480] =	vst v63  }
0xd1: {  	_ =	swait.ge [sflag:s15], $0x1400  }
0xd2: {  	[sflag:s15] =	ssyncset.done $0x0  }
0xd3: {  	s31 =	simm.s32 $0x10040;
	[sflag:s15] =	ssyncadd.s32 $0xFFFFEC00  }
0xd4: {  	v2 =	vld [tilespmem:s31+$0x30]  }
0xd5: {  	v3 =	vld [tilespmem:s31+$0xFFFFFFC0]  }
0xd6: {  	v4 =	vld [tilespmem:s31+$0xFFFFFFD0]  }
0xd7: {  	v7 =	vld [tilespmem:s31+$0x0]  }
0xd8: {  	v10 =	vld [tilespmem:s31+$0x10]  }
0xd9: {  	s17 =	simm.s32 $0x70;
	v13 =	vld [tilespmem:s31+$0x20]  }
0xda: {  	v8 =	vor.u32 s17, v0;
	v5 =	vld [tilespmem:s31+$0xFFFFFFE0]  }
0xdb: {  	vm0 =	vlt.s32 v8, v1;
	v6 =	vld [tilespmem:s31+$0xFFFFFFF0]  }
0xdc: {  	v9 =	vshll.u32 v2, $0x3;
	v11 =	vand.u32 $0x7F, v2;
	v12 =	vshrl.u32 v2, $0xD  }
0xdd: {  	v2 =	vshrl.u32 v2, $0x13;
	v14 =	vshll.u32 v7, $0x3;
	v15 =	vshll.u32 v10, $0x3  }
0xde: {  	v16 =	vshll.u32 v13, $0x3;
	v17 =	vand.u32 $0x7F, v3;
	v18 =	vshrl.u32 v3, $0xD  }
0xdf: {  	v19 =	vand.u32 $0x7F, v4;
	v20 =	vshrl.u32 v4, $0xD;
	v21 =	vand.u32 $0x7F, v5  }
0xe0: {  	v22 =	vshrl.u32 v5, $0xD;
	v23 =	vand.u32 $0x7F, v6;
	v24 =	vshrl.u32 v6, $0xD  }
0xe1: {  	v25 =	vand.u32 $0x7F, v7;
	v26 =	vshrl.u32 v7, $0xD;
	v27 =	vand.u32 $0x7F, v10  }
0xe2: {  	v28 =	vshrl.u32 v10, $0xD;
	v29 =	vshrl.u32 v13, $0xD;
	v7 =	vshrl.u32 v7, $0x13  }
0xe3: {  	v30 =	vshrl.u32 v10, $0x13;
	v31 =	vshrl.u32 v13, $0x13;
	v9 =	vand.u32 $0xFC00, v9  }
0xe4: {  	v12 =	vand.u32 $0x70000, v12;
	v2 =	vand.u32 $0x380, v2;
	v14 =	vand.u32 $0xFC00, v14  }
0xe5: {  	v15 =	vand.u32 $0xFC00, v15;
	v16 =	vand.u32 $0xFC00, v16;
	v9 =	vor.u32 v11, v9  }
0xe6: {  	v11 =	vshll.u32 v4, $0x3;
	v8 =	vor.u32 v12, v9;
	v9 =	vshll.u32 v3, $0x3  }
0xe7: {  	v12 =	vshll.u32 v6, $0x3;
	v11 =	vand.u32 $0xFC00, v11;
	v8 =	vor.u32 v2, v8  }
0xe8: {  	v2 =	vshll.u32 v5, $0x3;
	v9 =	vand.u32 $0xFC00, v9;
	v12 =	vand.u32 $0xFC00, v12  }
0xe9: {  	v11 =	vor.u32 v19, v11;
	v2 =	vand.u32 $0xFC00, v2;
	v9 =	vor.u32 v17, v9  }
0xea: {  	v17 =	vand.u32 $0x7F, v13;
	v12 =	vor.u32 v23, v12;
	v23 =	vor.u32 v27, v15  }
0xeb: {  	v15 =	vand.u32 $0x70000, v20;
	v20 =	vand.u32 $0x70000, v26;
	v26 =	vand.u32 $0x70000, v29  }
0xec: {  	v29 =	vshrl.u32 v6, $0x13;
	v19 =	vor.u32 v21, v2;
	v21 =	vor.u32 v25, v14  }
0xed: {  	s18 =	simm.s32 $0x12840;
	v16 =	vor.u32 v17, v16;
	v14 =	vand.u32 $0x70000, v18;
	v17 =	vand.u32 $0x70000, v22  }
0xee: {  	v27 =	vld [tilespmem:s18+$0x30];
	v18 =	vand.u32 $0x70000, v24;
	v22 =	vand.u32 $0x70000, v28;
	v24 =	vshrl.u32 v3, $0x13  }
0xef: {  	v6 =	vld [tilespmem:s18+$0x0];
	v25 =	vshrl.u32 v4, $0x13;
	v28 =	vshrl.u32 v5, $0x13;
	v15 =	vor.u32 v15, v11  }
0xf0: {  	v2 =	vld [tilespmem:s18+$0xFFFFFFC0];
	v14 =	vor.u32 v14, v9;
	v13 =	vor.u32 v17, v19;
	v12 =	vor.u32 v18, v12  }
0xf1: {  	v3 =	vld [tilespmem:s18+$0xFFFFFFD0];
	v11 =	vor.u32 v20, v21;
	v10 =	vor.u32 v22, v23;
	v9 =	vor.u32 v26, v16  }
0xf2: {  	v4 =	vld [tilespmem:s18+$0xFFFFFFE0];
	v22 =	vand.u32 $0x380, v24;
	v19 =	vand.u32 $0x380, v25;
	v18 =	vand.u32 $0x380, v28  }
0xf3: {  	s20 =	simm.s32 $0x10;
	s21 =	simm.s32 $0x0;
	s24 =	simm.s32 $0x30;
	v5 =	vld [tilespmem:s18+$0xFFFFFFF0];
	v20 =	vand.u32 $0x380, v29;
	v17 =	vand.u32 $0x380, v7;
	v16 =	vand.u32 $0x380, v30  }
0xf4: {  	s19 =	simm.s32 $0x0;
	s23 =	simm.s32 $0x20;
	s25 =	simm.s32 $0x40;
	v7 =	vld [tilespmem:s18+$0x10];
	v25 =	vor.u32 s21, v0;
	v23 =	vor.u32 s20, v0;
	v26 =	vor.u32 s24, v0  }
0xf5: {  	s22 =	simm.s32 $0x60;
	v21 =	vand.u32 $0x380, v31;
	s21 =	simm.s32 $0x50;
	v24 =	vor.u32 s25, v0;
	s20 =	simm.s32 $0x100C0;
	[tilespmem:v8+s1+$0x0] =	vst.idx.msk vm0, v27;
	v8 =	vld [tilespmem:s18+$0x20];
	v27 =	vor.u32 s23, v0  }
.LBB2_13:
0xf6: {  	v28 =	vld [tilespmem:s20+$0x30];
	s19 =	sadd.s32 $0x8, s19;
	v14 =	vor.u32 v22, v14;
	v22 =	vor.u32 s21, v0;
	v29 =	vor.u32 s22, v0  }
0xf7: {  	v15 =	vor.u32 v19, v15;
	v13 =	vor.u32 v18, v13;
	v12 =	vor.u32 v20, v12;
	v30 =	vld [tilespmem:s20+$0xFFFFFFC0];
	p4 =	slt.u32 s19, $0x138  }
0xf8: {  	v11 =	vor.u32 v17, v11;
	v10 =	vor.u32 v16, v10;
	v9 =	vor.u32 v21, v9;
	v18 =	vld [tilespmem:s20+$0xFFFFFFD0]  }
0xf9: {  	vm6 =	vlt.s32 v25, v1;
	vm5 =	vlt.s32 v23, v1;
	vm4 =	vlt.s32 v27, v1;
	v16 =	vld [tilespmem:s20+$0xFFFFFFE0]  }
0xfa: {  	vm3 =	vlt.s32 v26, v1;
	vm2 =	vlt.s32 v24, v1;
	s17 =	sadd.s32 $0x80, s17;
	vm0 =	vlt.s32 v22, v1;
	v17 =	vld [tilespmem:s20+$0xFFFFFFF0]  }
0xfb: {  	s25 =	sadd.s32 $0xFFFFFFA0, s17;
	s23 =	sadd.s32 $0xFFFFFFB0, s17;
	s24 =	sadd.s32 $0xFFFFFFC0, s17;
	v20 =	vor.u32 s17, v0;
	vm1 =	vlt.s32 v29, v1;
	v19 =	vld [tilespmem:s20+$0x0];
	v21 =	vshll.u32 v28, $0x3  }
0xfc: {  	s26 =	sadd.s32 $0xFFFFFFD0, s17;
	s21 =	sadd.s32 $0xFFFFFFE0, s17;
	v23 =	vand.u32 $0x7F, v28;
	v24 =	vshrl.u32 v28, $0xD;
	v22 =	vld [tilespmem:s20+$0x10];
	v21 =	vand.u32 $0xFC00, v21  }
0xfd: {  	s28 =	sadd.s32 $0xFFFFFF90, s17;
	s22 =	sadd.s32 $0xFFFFFFF0, s17;
	v26 =	vshrl.u32 v28, $0x13;
	v24 =	vand.u32 $0x70000, v24;
	v25 =	vld [tilespmem:s20+$0x20];
	v21 =	vor.u32 v23, v21  }
0xfe: {  	s18 =	sadd.s32 $0x80, s18;
	vm7 =	vlt.s32 v20, v1;
	v20 =	vand.u32 $0x380, v26;
	v21 =	vor.u32 v24, v21  }
0xff: {  	v23 =	vshll.u32 v30, $0x3;
	v24 =	vshll.u32 v18, $0x3;
	v26 =	vld [tilespmem:s18+$0x30];
	v20 =	vor.u32 v20, v21;
	[tilespmem:v14+s1+$0x0] =	vst.idx.msk vm6, v2  }
0x100: {  	v14 =	vshll.u32 v16, $0x3;
	v21 =	vshll.u32 v17, $0x3;
	v2 =	vld [tilespmem:s18+$0xFFFFFFC0];
	v27 =	vshll.u32 v19, $0x3;
	[tilespmem:v15+s1+$0x0] =	vst.idx.msk vm5, v3  }
0x101: {  	v15 =	vand.u32 $0xFC00, v23;
	v23 =	vand.u32 $0xFC00, v24;
	v3 =	vld [tilespmem:s18+$0xFFFFFFD0];
	v24 =	vshll.u32 v22, $0x3;
	[tilespmem:v13+s1+$0x0] =	vst.idx.msk vm4, v4  }
0x102: {  	v13 =	vand.u32 $0xFC00, v14;
	v14 =	vand.u32 $0xFC00, v21;
	v4 =	vld [tilespmem:s18+$0xFFFFFFE0];
	v21 =	vshll.u32 v25, $0x3;
	[tilespmem:v12+s1+$0x0] =	vst.idx.msk vm3, v5  }
0x103: {  	v12 =	vand.u32 $0xFC00, v27;
	v24 =	vand.u32 $0xFC00, v24;
	v5 =	vld [tilespmem:s18+$0xFFFFFFF0];
	v21 =	vand.u32 $0xFC00, v21;
	[tilespmem:v11+s1+$0x0] =	vst.idx.msk vm2, v6  }
0x104: {  	v28 =	vand.u32 $0x7F, v18;
	v27 =	vshrl.u32 v30, $0xD;
	v11 =	vand.u32 $0x7F, v30;
	v6 =	vld [tilespmem:s18+$0x0];
	[tilespmem:v20+s1+$0x0] =	vst.idx.msk vm7, v26  }
0x105: {  	v29 =	vshrl.u32 v16, $0xD;
	v20 =	vshrl.u32 v18, $0xD;
	v26 =	vand.u32 $0x7F, v16;
	[tilespmem:v10+s1+$0x0] =	vst.idx.msk vm0, v7;
	v7 =	vld [tilespmem:s18+$0x10]  }
0x106: {  	v31 =	vshrl.u32 v17, $0xD;
	v32 =	vand.u32 $0x7F, v19;
	v10 =	vand.u32 $0x7F, v17;
	[tilespmem:v9+s1+$0x0] =	vst.idx.msk vm1, v8;
	v8 =	vld [tilespmem:s18+$0x20]  }
0x107: {  	v33 =	vand.u32 $0x7F, v22;
	v34 =	vshrl.u32 v22, $0xD;
	v9 =	vshrl.u32 v19, $0xD  }
0x108: {  	v35 =	vshrl.u32 v25, $0xD;
	v11 =	vor.u32 v11, v15;
	v15 =	vand.u32 $0x7F, v25  }
0x109: {  	v23 =	vor.u32 v28, v23;
	v13 =	vor.u32 v26, v13;
	v10 =	vor.u32 v10, v14  }
0x10a: {  	v24 =	vor.u32 v33, v24;
	v26 =	vor.u32 v32, v12;
	v21 =	vor.u32 v15, v21  }
0x10b: {  	v12 =	vand.u32 $0x70000, v27;
	v15 =	vand.u32 $0x70000, v20;
	v20 =	vand.u32 $0x70000, v29  }
0x10c: {  	v28 =	vand.u32 $0x70000, v34;
	v27 =	vand.u32 $0x70000, v31;
	v9 =	vand.u32 $0x70000, v9  }
0x10d: {  	v18 =	vshrl.u32 v18, $0x13;
	v29 =	vshrl.u32 v30, $0x13;
	v30 =	vand.u32 $0x70000, v35  }
0x10e: {  	v16 =	vshrl.u32 v16, $0x13;
	v17 =	vshrl.u32 v17, $0x13;
	v31 =	vshrl.u32 v19, $0x13  }
0x10f: {  	v33 =	vshrl.u32 v25, $0x13;
	v32 =	vshrl.u32 v22, $0x13;
	v14 =	vor.u32 v12, v11  }
0x110: {  	v15 =	vor.u32 v15, v23;
	v13 =	vor.u32 v20, v13;
	v12 =	vor.u32 v27, v10  }
.Ltmp9:
0x111: {  	v10 =	vor.u32 v28, v24;
	v11 =	vor.u32 v9, v26;
	v9 =	vor.u32 v30, v21;
	(pc) =	sbr.rel @p4 .LBB2_13-.Ltmp9, $4  }
0x112: {  	v22 =	vand.u32 $0x380, v29;
	v19 =	vand.u32 $0x380, v18;
	v18 =	vand.u32 $0x380, v16  }
0x113: {  	v20 =	vand.u32 $0x380, v17;
	v17 =	vand.u32 $0x380, v31;
	v16 =	vand.u32 $0x380, v32  }
0x114: {  	v25 =	vor.u32 s28, v0;
	v23 =	vor.u32 s25, v0;
	v21 =	vand.u32 $0x380, v33  }
0x115: {  	s20 =	sadd.s32 $0x80, s20;
	v27 =	vor.u32 s23, v0;
	v24 =	vor.u32 s26, v0;
	v26 =	vor.u32 s24, v0  }
0x116: {  	vm0 =	vlt.s32 v25, v1  }
0x117: {  	v14 =	vor.u32 v22, v14;
	vm1 =	vlt.s32 v23, v1  }
0x118: {  	v15 =	vor.u32 v19, v15;
	vm2 =	vlt.s32 v27, v1  }
0x119: {  	v13 =	vor.u32 v18, v13;
	vm3 =	vlt.s32 v26, v1  }
0x11a: {  	v18 =	vor.u32 s21, v0;
	v12 =	vor.u32 v20, v12;
	vm4 =	vlt.s32 v24, v1  }
0x11b: {  	v19 =	vor.u32 s22, v0;
	v11 =	vor.u32 v17, v11;
	vm5 =	vlt.s32 v18, v1  }
0x11c: {  	v10 =	vor.u32 v16, v10;
	vm6 =	vlt.s32 v19, v1;
	[tilespmem:v14+s1+$0x0] =	vst.idx.msk vm0, v2  }
0x11d: {  	v1 =	vor.u32 v21, v9;
	[tilespmem:v15+s1+$0x0] =	vst.idx.msk vm1, v3  }
0x11e: {  	[tilespmem:v13+s1+$0x0] =	vst.idx.msk vm2, v4  }
0x11f: {  	[tilespmem:v12+s1+$0x0] =	vst.idx.msk vm3, v5  }
0x120: {  	[tilespmem:v11+s1+$0x0] =	vst.idx.msk vm4, v6  }
0x121: {  	[tilespmem:v10+s1+$0x0] =	vst.idx.msk vm5, v7  }
0x122: {  	[tilespmem:v1+s1+$0x0] =	vst.idx.msk vm6, v8  }
0x123: {  	[bflag:$0x0] =	sbarrier.arrive $0xFFFF  }
0x124: {  	v1 =	vld [tilespmem:$0x15020];
	[tilespmem:s14], [sflag:$0x2] =	stream.strided.gather [spmem:s9], $0x1400, s13, s12, $0x38  }
0x125: {  	_ =	swait.ge [sflag:s15], $0x1400  }
0x126: {  	[sflag:s15] =	ssyncset.done $0x0  }
0x127: {  	s18 =	simm.s32 $0x11440;
	[sflag:s15] =	ssyncadd.s32 $0xFFFFEC00  }
0x128: {  	v2 =	vld [tilespmem:s18+$0x30]  }
0x129: {  	v4 =	vld [tilespmem:s18+$0xFFFFFFD0]  }
0x12a: {  	v5 =	vld [tilespmem:s18+$0xFFFFFFE0]  }
0x12b: {  	v6 =	vld [tilespmem:s18+$0xFFFFFFF0]  }
0x12c: {  	v7 =	vld [tilespmem:s18+$0x0]  }
0x12d: {  	s17 =	simm.s32 $0x70;
	v11 =	vld [tilespmem:s18+$0x10]  }
0x12e: {  	v8 =	vor.u32 s17, v0;
	v12 =	vld [tilespmem:s18+$0x20]  }
0x12f: {  	v3 =	vld [tilespmem:s18+$0xFFFFFFC0];
	vm15 =	vlt.s32 v8, v1;
	v9 =	vshrl.u32 v2, $0xD  }
0x130: {  	v10 =	vshrl.u32 v2, $0x16;
	v2 =	vshrl.u32 v2, $0x10;
	v13 =	vshrl.u32 v4, $0x16  }
0x131: {  	v14 =	vshrl.u32 v5, $0xD;
	v15 =	vshrl.u32 v5, $0x16;
	v16 =	vshrl.u32 v6, $0xD  }
0x132: {  	v17 =	vshrl.u32 v6, $0x16;
	v18 =	vshrl.u32 v7, $0xD;
	v19 =	vshrl.u32 v7, $0x16  }
0x133: {  	v20 =	vshrl.u32 v11, $0xD;
	v21 =	vshrl.u32 v11, $0x16;
	v22 =	vshrl.u32 v12, $0xD  }
0x134: {  	v23 =	vshrl.u32 v12, $0x16;
	v27 =	vshrl.u32 v3, $0x10;
	v28 =	vshrl.u32 v4, $0x10  }
0x135: {  	v29 =	vshrl.u32 v5, $0x10;
	v6 =	vshrl.u32 v6, $0x10;
	v7 =	vshrl.u32 v7, $0x10  }
0x136: {  	v31 =	vshrl.u32 v11, $0x10;
	v32 =	vshrl.u32 v12, $0x10;
	v9 =	vand.u32 $0xFC00, v9  }
0x137: {  	v10 =	vand.u32 $0x380, v10;
	v2 =	vand.u32 $0x7F, v2;
	v13 =	vand.u32 $0x380, v13  }
0x138: {  	v25 =	vand.u32 $0xFC00, v14;
	v26 =	vand.u32 $0x380, v15;
	v16 =	vand.u32 $0xFC00, v16  }
0x139: {  	v17 =	vand.u32 $0x380, v17;
	v18 =	vand.u32 $0xFC00, v18;
	v19 =	vand.u32 $0x380, v19  }
0x13a: {  	v20 =	vand.u32 $0xFC00, v20;
	v21 =	vand.u32 $0x380, v21;
	v22 =	vand.u32 $0xFC00, v22  }
0x13b: {  	v23 =	vand.u32 $0x380, v23;
	v8 =	vor.u32 v10, v9;
	v9 =	vshrl.u32 v3, $0xD  }
0x13c: {  	s18 =	simm.s32 $0x13C40;
	v10 =	vshrl.u32 v3, $0x16;
	v12 =	vor.u32 v17, v16;
	v11 =	vor.u32 v19, v18  }
0x13d: {  	s23 =	simm.s32 $0x40;
	v30 =	vld [tilespmem:s18+$0x30];
	v17 =	vand.u32 $0x7F, v28;
	v18 =	vand.u32 $0x7F, v6;
	v16 =	vand.u32 $0x7F, v7  }
0x13e: {  	v5 =	vld [tilespmem:s18+$0xFFFFFFF0];
	v19 =	vand.u32 $0x7F, v32;
	v28 =	vor.u32 s23, v0;
	v8 =	vor.u32 v2, v8  }
0x13f: {  	v3 =	vld [tilespmem:s18+$0xFFFFFFD0];
	v2 =	vshrl.u32 v4, $0xD;
	v9 =	vand.u32 $0xFC00, v9;
	v10 =	vand.u32 $0x380, v10  }
0x140: {  	v6 =	vld [tilespmem:s18+$0x0];
	v24 =	vand.u32 $0xFC00, v2;
	v15 =	vor.u32 v10, v9;
	v9 =	vor.u32 v21, v20  }
0x141: {  	s19 =	simm.s32 $0x0;
	s20 =	simm.s32 $0x10;
	s30 =	simm.s32 $0x20;
	v7 =	vld [tilespmem:s18+$0x10];
	v20 =	vand.u32 $0x7F, v27;
	v10 =	vor.u32 v23, v22;
	v21 =	vand.u32 $0x7F, v29  }
0x142: {  	s31 =	simm.s32 $0x30;
	v4 =	vld [tilespmem:s18+$0xFFFFFFE0];
	v23 =	vor.u32 s19, v0;
	v29 =	vor.u32 s20, v0;
	v27 =	vor.u32 s30, v0  }
0x143: {  	s24 =	simm.s32 $0x50;
	s25 =	simm.s32 $0x60;
	v2 =	vld [tilespmem:s18+$0xFFFFFFC0];
	v14 =	vor.u32 v13, v24;
	v13 =	vor.u32 v26, v25;
	v26 =	vor.u32 s31, v0  }
0x144: {  	v22 =	vand.u32 $0x7F, v31;
	s19 =	simm.s32 $0x0;
	s20 =	simm.s32 $0x114C0;
	v25 =	vor.u32 s24, v0;
	v24 =	vor.u32 s25, v0;
	[tilespmem:v8+s1+$0x0] =	vst.idx.msk vm15, v30;
	v8 =	vld [tilespmem:s18+$0x20]  }
.LBB2_15:
0x145: {  	v30 =	vld [tilespmem:s20+$0x30];
	s19 =	sadd.s32 $0x8, s19;
	v15 =	vor.u32 v20, v15;
	v14 =	vor.u32 v17, v14;
	v13 =	vor.u32 v21, v13  }
0x146: {  	v12 =	vor.u32 v18, v12;
	v11 =	vor.u32 v16, v11;
	v9 =	vor.u32 v22, v9;
	v17 =	vld [tilespmem:s20+$0xFFFFFFC0];
	p4 =	slt.u32 s19, $0x138  }
0x147: {  	vm6 =	vlt.s32 v23, v1;
	vm5 =	vlt.s32 v29, v1;
	v10 =	vor.u32 v19, v10;
	v16 =	vld [tilespmem:s20+$0xFFFFFFD0]  }
0x148: {  	vm4 =	vlt.s32 v27, v1;
	vm3 =	vlt.s32 v26, v1;
	vm2 =	vlt.s32 v28, v1;
	v18 =	vld [tilespmem:s20+$0xFFFFFFE0]  }
0x149: {  	vm1 =	vlt.s32 v25, v1;
	vm0 =	vlt.s32 v24, v1;
	s17 =	sadd.s32 $0x80, s17;
	v19 =	vld [tilespmem:s20+$0xFFFFFFF0]  }
0x14a: {  	s21 =	sadd.s32 $0xFFFFFFA0, s17;
	s22 =	sadd.s32 $0xFFFFFFB0, s17;
	s23 =	sadd.s32 $0xFFFFFFC0, s17;
	v21 =	vor.u32 s17, v0;
	v20 =	vld [tilespmem:s20+$0x0];
	v22 =	vshrl.u32 v30, $0xD;
	v23 =	vshrl.u32 v30, $0x16  }
0x14b: {  	s24 =	sadd.s32 $0xFFFFFFD0, s17;
	s25 =	sadd.s32 $0xFFFFFFE0, s17;
	s26 =	sadd.s32 $0xFFFFFFF0, s17;
	v25 =	vshrl.u32 v30, $0x10;
	v24 =	vld [tilespmem:s20+$0x10];
	v22 =	vand.u32 $0xFC00, v22;
	v23 =	vand.u32 $0x380, v23  }
0x14c: {  	s18 =	sadd.s32 $0x80, s18;
	s28 =	sadd.s32 $0xFFFFFF90, s17;
	vm7 =	vlt.s32 v21, v1;
	v21 =	vand.u32 $0x7F, v25;
	v26 =	vld [tilespmem:s20+$0x20];
	v22 =	vor.u32 v23, v22  }
0x14d: {  	v25 =	vshrl.u32 v17, $0x16;
	v23 =	vshrl.u32 v17, $0xD;
	v27 =	vld [tilespmem:s18+$0x30];
	v21 =	vor.u32 v21, v22;
	[tilespmem:v15+s1+$0x0] =	vst.idx.msk vm6, v2  }
0x14e: {  	v15 =	vshrl.u32 v16, $0xD;
	v22 =	vshrl.u32 v16, $0x16;
	v28 =	vshrl.u32 v18, $0xD;
	v2 =	vld [tilespmem:s18+$0xFFFFFFC0];
	[tilespmem:v14+s1+$0x0] =	vst.idx.msk vm5, v3  }
0x14f: {  	v14 =	vshrl.u32 v18, $0x16;
	v29 =	vshrl.u32 v19, $0xD;
	v30 =	vshrl.u32 v19, $0x16;
	v3 =	vld [tilespmem:s18+$0xFFFFFFD0];
	[tilespmem:v13+s1+$0x0] =	vst.idx.msk vm4, v4  }
0x150: {  	v13 =	vshrl.u32 v20, $0xD;
	v31 =	vshrl.u32 v20, $0x16;
	v4 =	vld [tilespmem:s18+$0xFFFFFFE0];
	v32 =	vshrl.u32 v24, $0xD;
	[tilespmem:v12+s1+$0x0] =	vst.idx.msk vm3, v5  }
0x151: {  	v12 =	vshrl.u32 v24, $0x16;
	v5 =	vld [tilespmem:s18+$0xFFFFFFF0];
	v33 =	vshrl.u32 v26, $0xD;
	v34 =	vshrl.u32 v26, $0x16;
	[tilespmem:v11+s1+$0x0] =	vst.idx.msk vm2, v6  }
0x152: {  	v11 =	vand.u32 $0xFC00, v23;
	v23 =	vand.u32 $0x380, v25;
	v25 =	vand.u32 $0xFC00, v15;
	v6 =	vld [tilespmem:s18+$0x0];
	[tilespmem:v21+s1+$0x0] =	vst.idx.msk vm7, v27  }
0x153: {  	v21 =	vand.u32 $0x380, v22;
	v22 =	vand.u32 $0xFC00, v28;
	v27 =	vand.u32 $0x380, v14;
	[tilespmem:v9+s1+$0x0] =	vst.idx.msk vm1, v7;
	v7 =	vld [tilespmem:s18+$0x10]  }
0x154: {  	v28 =	vand.u32 $0x380, v30;
	v9 =	vand.u32 $0xFC00, v29;
	v29 =	vand.u32 $0xFC00, v13;
	[tilespmem:v10+s1+$0x0] =	vst.idx.msk vm0, v8;
	v8 =	vld [tilespmem:s18+$0x20]  }
0x155: {  	v30 =	vand.u32 $0xFC00, v32;
	v10 =	vand.u32 $0x380, v31;
	v31 =	vand.u32 $0x380, v12  }
0x156: {  	v17 =	vshrl.u32 v17, $0x10;
	v32 =	vand.u32 $0xFC00, v33;
	v33 =	vand.u32 $0x380, v34  }
0x157: {  	v16 =	vshrl.u32 v16, $0x10;
	v18 =	vshrl.u32 v18, $0x10;
	v19 =	vshrl.u32 v19, $0x10  }
0x158: {  	v24 =	vshrl.u32 v24, $0x10;
	v26 =	vshrl.u32 v26, $0x10;
	v34 =	vshrl.u32 v20, $0x10  }
0x159: {  	v15 =	vor.u32 v23, v11;
	v14 =	vor.u32 v21, v25;
	v13 =	vor.u32 v27, v22  }
0x15a: {  	v12 =	vor.u32 v28, v9;
	v11 =	vor.u32 v10, v29;
	v9 =	vor.u32 v31, v30  }
.Ltmp10:
0x15b: {  	v20 =	vand.u32 $0x7F, v17;
	v17 =	vand.u32 $0x7F, v16;
	v10 =	vor.u32 v33, v32;
	(pc) =	sbr.rel @p4 .LBB2_15-.Ltmp10, $4  }
0x15c: {  	v21 =	vand.u32 $0x7F, v18;
	v18 =	vand.u32 $0x7F, v19;
	v16 =	vand.u32 $0x7F, v34  }
0x15d: {  	v23 =	vor.u32 s28, v0;
	v22 =	vand.u32 $0x7F, v24;
	v19 =	vand.u32 $0x7F, v26  }
0x15e: {  	v27 =	vor.u32 s22, v0;
	v26 =	vor.u32 s23, v0;
	v29 =	vor.u32 s21, v0  }
0x15f: {  	s20 =	sadd.s32 $0x80, s20;
	v25 =	vor.u32 s25, v0;
	v24 =	vor.u32 s26, v0;
	v28 =	vor.u32 s24, v0  }
0x160: {  	vm0 =	vlt.s32 v23, v1  }
0x161: {  	v15 =	vor.u32 v20, v15;
	vm1 =	vlt.s32 v29, v1  }
0x162: {  	v14 =	vor.u32 v17, v14;
	vm2 =	vlt.s32 v27, v1  }
0x163: {  	v13 =	vor.u32 v21, v13;
	vm3 =	vlt.s32 v26, v1  }
0x164: {  	v12 =	vor.u32 v18, v12;
	vm4 =	vlt.s32 v28, v1  }
0x165: {  	v11 =	vor.u32 v16, v11;
	vm5 =	vlt.s32 v25, v1  }
0x166: {  	v9 =	vor.u32 v22, v9;
	vm6 =	vlt.s32 v24, v1;
	[tilespmem:v15+s1+$0x0] =	vst.idx.msk vm0, v2  }
0x167: {  	v1 =	vor.u32 v19, v10;
	[tilespmem:v14+s1+$0x0] =	vst.idx.msk vm1, v3  }
0x168: {  	[tilespmem:v13+s1+$0x0] =	vst.idx.msk vm2, v4  }
0x169: {  	[tilespmem:v12+s1+$0x0] =	vst.idx.msk vm3, v5  }
0x16a: {  	[tilespmem:v11+s1+$0x0] =	vst.idx.msk vm4, v6  }
0x16b: {  	[tilespmem:v9+s1+$0x0] =	vst.idx.msk vm5, v7  }
.Ltmp11:
0x16c: {  	[tilespmem:v1+s1+$0x0] =	vst.idx.msk vm6, v8;
	(pc) =	sbr.rel .LBB2_18-.Ltmp11, $4  }
0x16d: {  	[hbm4b:s10+s1] =	stream.linear.scatter [tilespmem:s1], [sflag:$0x2], $0x10000, $0x38;
	[tilespmem:$0x16480] =	vst v63  }
0x16e: {  	_ =	swait.ge [sflag:s15], $0x10000  }
0x16f: {  	[sflag:s15] =	ssyncset.done $0x0  }
0x170: {  	[sflag:s15] =	ssyncadd.s32 $0xFFFF0000  }
.LBB2_19:
0x171: {  	_ =	sfence.sel $0x180000  }
0x172: {  	[bflag:$0x0] =	sbarrier.arrive $0xFFFF  }
0x173: {  	p0 =	sne.s32 s2, $0x0;
	_ =	strace $0x90000047  }
0x174: {  	s0 =	sadd.s32 @!p0 $0x100000, s0;
	[bflag:$0x2] =	sbarrier.arrive $0xFFFF  }
0x175: {  	[sflag:s0] =	ssyncadd.tile.s32 @!p0 $0x1;
	_ =	shalt  }
.Lfunc_end2:
_tile_overlayer_lowered:
.L_overlay_start_2:
0x176: {  	(tag) =	ssettag $0x2  }
0x177: {  	s0 =	rddreg [dreg:$0x0];
	s2 =	stileid.u32  }
0x178: {  	s1 =	rddreg [dreg:$0x1];
	p0 =	sne.s32 s2, $0x0  }
0x179: {  	s3 =	rddreg [dreg:$0x2];
	[bflag:$0x3] =	sbarrier.arrive $0xFFFF;
	s2 =	simm.s32 @!p0 $0x1C02  }
0x17a: {  	[timem:s3], [sflag:s2] =	dma.local @!p0 [hbm:s0], s1  }
0x17b: {  	s0 =	simm.s32 @!p0 $0x2  }
0x17c: {  	_ =	swait.ge @!p0 [sflag:s0], s1  }
0x17d: {  	s1 =	ssub.s32 @!p0 $0x0, s1;
	[sflag:s0] =	ssyncset.done @!p0 $0x0  }
0x17e: {  	[sflag:s0] =	ssyncadd.s32 @!p0 s1  }
0x17f: {  	[bflag:$0x3] =	sbarrier.arrive $0xFFFF  }
0x180: {  	_ =	shalt  }

</sc_bundles>
